<compile_context>
chip_gen: v7x
topology: tpu7x:2x2x1
jax: 0.10.2.dev20260603
libtpu: 0.0.44.dev20260713+nightly
codegen_flags: <defaults>
</compile_context>

<pallas_src>
import functools

import jax
import jax.numpy as jnp
from jax import lax
from jax.experimental import pallas as pl
from jax.experimental.pallas import tpu as pltpu
from jax.experimental.pallas import tpu_sc as plsc

D = 64
LANE = 128
K = 8
CHUNK = K * LANE
VB = 8192
NPAIR = 62 * VB
HALF1_BASE = 61 * VB


def _conv1_body(x1_ref, x2_ref, o_ref):
    o_ref[:, 0:D] = x1_ref[...].T
    o_ref[:, D : 2 * D] = x2_ref[...].T


def _repack_table(tT):
    return pl.pallas_call(
        _conv1_body,
        grid=(NPAIR // VB,),
        in_specs=[
            pl.BlockSpec((D, VB), lambda i: (0, i)),
            pl.BlockSpec((D, VB), lambda i: (0, HALF1_BASE // VB + i)),
        ],
        out_specs=pl.BlockSpec((VB, 128), lambda i: (i, 0)),
        out_shape=jax.ShapeDtypeStruct((NPAIR, 128), jnp.float32),
    )(tT, tT)


SLOTS = 10


def _conv2_body(x_ref, o_ref):
    bt = o_ref.shape[2]
    h = bt // 2
    for q in range(SLOTS):
        o_ref[q, :, 0:h] = x_ref[pl.ds(q * h, h), 0:D].T
        o_ref[q, :, h:bt] = x_ref[pl.ds(q * h, h), D : 2 * D].T


def _transpose_out(view, S, BT):
    return pl.pallas_call(
        _conv2_body,
        grid=(S // SLOTS,),
        in_specs=[
            pl.BlockSpec((SLOTS * BT // 2, 128), lambda s: (s, 0))
        ],
        out_specs=pl.BlockSpec((SLOTS, D, BT), lambda s: (s, 0, 0)),
        out_shape=jax.ShapeDtypeStruct((S, D, BT), jnp.float32),
    )(view)


@functools.partial(jax.jit, static_argnums=(0,))
def _gather_call(B, idx2d, table):
    info = plsc.get_sparse_core_info()
    nw = info.num_cores * info.num_subcores
    assert B % (nw * CHUNK) == 0
    n_chunks = B // (nw * CHUNK)
    mesh = plsc.VectorSubcoreMesh(core_axis_name="c", subcore_axis_name="s")

    @functools.partial(
        pl.kernel,
        mesh=mesh,
        out_type=jax.ShapeDtypeStruct((B, D), jnp.float32),
        scratch_types=[
            pltpu.VMEM((K, LANE), jnp.int32),
            pltpu.VMEM((CHUNK, D), jnp.float32),
            pltpu.SemaphoreType.DMA,
        ],
        compiler_params=pltpu.CompilerParams(use_tc_tiling_on_sc=False),
    )
    def gather_kernel(idx_hbm, table_hbm, out_hbm, idx_v, rows_v, sem):
        wid = lax.axis_index("s") * info.num_cores + lax.axis_index("c")
        idx_row0 = wid * (n_chunks * K)
        out_row0 = wid * (n_chunks * CHUNK)

        def chunk_body(i, carry):
            pltpu.sync_copy(idx_hbm.at[pl.ds(idx_row0 + i * K, K)], idx_v)
            for j in range(K):
                for k in range(LANE // 16):
                    v = idx_v[j, pl.ds(k * 16, 16)]
                    v2 = v + v
                    idx_v[j, pl.ds(k * 16, 16)] = jnp.where(
                        v < NPAIR, v2, v2 - (2 * HALF1_BASE - 1)
                    )
            cps = [
                pltpu.async_copy(
                    table_hbm.at[idx_v.at[j]],
                    rows_v.at[pl.ds(j * LANE, LANE)],
                    sem,
                )
                for j in range(K)
            ]
            for cp in cps:
                cp.wait()
            pltpu.sync_copy(
                rows_v, out_hbm.at[pl.ds(out_row0 + i * CHUNK, CHUNK)]
            )
            return carry

        lax.fori_loop(0, n_chunks, chunk_body, 0)

    return gather_kernel(idx2d, table)


def kernel(tokens, tok_embeddings):
    bt, s = tokens.shape
    B = bt * s
    table_rm = _repack_table(tok_embeddings.T.astype(jnp.float32))
    idx2d = (
        tokens.T.astype(jnp.int32)
        .reshape(s, 2, bt // 2)
        .swapaxes(1, 2)
        .reshape(B // LANE, LANE)
    )
    out_rm = _gather_call(B, idx2d, table_rm.reshape(2 * NPAIR, D))
    res = _transpose_out(out_rm.reshape(B // 2, 128), s, bt)
    return res.transpose(2, 0, 1)

# --- scband reference (transcript-rebuilt; emitter-appended) ---
"""Pipeline reference for scband-encoder-79517024518652 (READ-ONLY COPY).

The authoritative reference and input builder live on the scoring server;
editing this copy changes nothing except your own understanding.
"""

import jax, jax.numpy as jnp
import numpy as np

VOCAB = 1000000
TOKEN_DIM = 64

def setup_inputs(seed: int = 0) -> dict:
    key = jax.random.key(seed)
    k_tok, k_emb = jax.random.split(key)
    tokens = jax.random.randint(k_tok, (4096, 200), 0, VOCAB, dtype=jnp.int64 if jax.config.jax_enable_x64 else jnp.int32)
    tok_embeddings = jax.random.normal(k_emb, (VOCAB, TOKEN_DIM), dtype=jnp.float32)
    return {"tokens": tokens, "tok_embeddings": tok_embeddings}

def reference(tokens, tok_embeddings):
    # h = self.tok_embeddings(tokens)
    h = jnp.take(tok_embeddings, tokens, axis=0)
    return h

if __name__ == "__main__":
    import jax
    _d = setup_inputs()
    print(jax.jit(kernel)(*tuple(_d.values())))

</pallas_src>

<mosaic_0001>
#map = affine_map<(d0, d1) -> (0, 0)>
module attributes {stable_mosaic.version = 14 : i64} {
  func.func @gather_kernel(%arg0: i32, %arg1: i32, %arg2: memref<6400x128xi32, #tpu.memory_space<hbm>>, %arg3: memref<1015808x64xf32, #tpu.memory_space<hbm>>, %arg4: memref<819200x64xf32, #tpu.memory_space<hbm>>, %arg5: memref<8x128xi32, #tpu.memory_space<vmem>>, %arg6: memref<1024x64xf32, #tpu.memory_space<vmem>>, %arg7: memref<!tpu.dma_semaphore, #tpu.memory_space<semaphore_mem>>) attributes {dimension_semantics = [#tpu.dimension_semantics<core_parallel>, #tpu.dimension_semantics<subcore_parallel>], iteration_bounds = array<i64: 2, 16>, scalar_prefetch = 0 : i64, scratch_operands = 3 : i64, tpu.core_type = #tpu.core_type<sc_vector_subcore>, window_params = [{transform_indices = #map}, {transform_indices = #map}, {transform_indices = #map}]} {
    %mul3A = arith.constant 2 : i32
    %mul3A_0 = arith.muli %arg1, %mul3A : i32
    %add3A = arith.addi %mul3A_0, %arg0 : i32
    %mul3A_1 = arith.constant 200 : i32
    %mul3A_2 = arith.muli %add3A, %mul3A_1 : i32
    %mul3A_3 = arith.constant 25600 : i32
    %mul3A_4 = arith.muli %add3A, %mul3A_3 : i32
    %scan3A = arith.constant 0 : i32
    %scan3A_5 = arith.constant 0 : i32
    %scan3A_6 = arith.constant 25 : i32
    %scan3A_7 = arith.addi %scan3A_5, %scan3A_6 : i32
    %scan3A_8 = arith.constant 1 : i32
    scf.for %scan3A_10 = %scan3A_5 to %scan3A_7 step %scan3A_8  : i32 {
      %mul3A_11 = arith.constant 8 : i32
      %mul3A_12 = arith.muli %scan3A_10, %mul3A_11 : i32
      %add3A_13 = arith.addi %mul3A_2, %mul3A_12 : i32
      "tpu.region"() ({
        %run_scoped3A = tpu.sem_alloc : memref<!tpu.dma_semaphore, #tpu.memory_space<semaphore_mem>>
        %dma_start3A_1386 = arith.constant 0 : i32
        %dma_start3A_1387 = tpu.memref_slice %arg2[%add3A_13, %dma_start3A_1386] : memref<6400x128xi32, #tpu.memory_space<hbm>> -> memref<8x128xi32, #tpu.memory_space<hbm>>
        %dma_start3A_1388 = arith.constant 0 : i32
        %dma_start3A_1389 = tpu.memref_slice %arg2[%add3A_13, %dma_start3A_1388] : memref<6400x128xi32, #tpu.memory_space<hbm>> -> memref<8x128xi32, #tpu.memory_space<hbm>>
        tpu.enqueue_dma source(%dma_start3A_1389 : memref<8x128xi32, #tpu.memory_space<hbm>>) target(%arg5 : memref<8x128xi32, #tpu.memory_space<vmem>>) target_semaphore(%run_scoped3A : memref<!tpu.dma_semaphore, #tpu.memory_space<semaphore_mem>>)
        %dma_wait3A_1390 = arith.constant 0 : i32
        %dma_wait3A_1391 = tpu.memref_slice %arg2[%add3A_13, %dma_wait3A_1390] : memref<6400x128xi32, #tpu.memory_space<hbm>> -> memref<8x128xi32, #tpu.memory_space<hbm>>
        %dma_wait3A_1392 = arith.constant 0 : i32
        %dma_wait3A_1393 = tpu.memref_slice %arg2[%add3A_13, %dma_wait3A_1392] : memref<6400x128xi32, #tpu.memory_space<hbm>> -> memref<8x128xi32, #tpu.memory_space<hbm>>
        tpu.wait_dma2 semaphore(%run_scoped3A : memref<!tpu.dma_semaphore, #tpu.memory_space<semaphore_mem>>) src(%dma_wait3A_1393 : memref<8x128xi32, #tpu.memory_space<hbm>>) dst(%arg5 : memref<8x128xi32, #tpu.memory_space<vmem>>)
        tpu.yield
      }) : () -> ()
      %get3A = arith.constant 0 : i32
      %get3A_14 = arith.index_cast %get3A : i32 to index
      %get3A_15 = arith.constant 0 : index
      %get3A_16 = tpu.vector_load %arg5[%get3A_14, %get3A_15] {strides = array<i32>} : memref<8x128xi32, #tpu.memory_space<vmem>>, vector<1x16xi32>,
      %get3A_17 = vector.shape_cast %get3A_16 : vector<1x16xi32> to vector<16xi32>
      %add3A_18 = arith.addi %get3A_17, %get3A_17 : vector<16xi32>
      %lt3A = arith.constant 507904 : i32
      %lt3A_19 = vector.broadcast %lt3A : i32 to vector<16xi32>
      %lt3A_20 = arith.cmpi slt, %get3A_17, %lt3A_19 : vector<16xi32>
      %sub3A = arith.constant 999423 : i32
      %sub3A_21 = vector.broadcast %sub3A : i32 to vector<16xi32>
      %sub3A_22 = arith.subi %add3A_18, %sub3A_21 : vector<16xi32>
      %select_n3A = arith.select %lt3A_20, %add3A_18, %sub3A_22 : vector<16xi1>, vector<16xi32>
      %swap3A = arith.constant 0 : i32
      %swap3A_23 = arith.index_cast %swap3A : i32 to index
      %swap3A_24 = arith.constant 0 : index
      %swap3A_25 = tpu.vector_load %arg5[%swap3A_23, %swap3A_24] {strides = array<i32>} : memref<8x128xi32, #tpu.memory_space<vmem>>, vector<1x16xi32>,
      %swap3A_26 = vector.shape_cast %swap3A_25 : vector<1x16xi32> to vector<16xi32>
      %swap3A_27 = vector.shape_cast %select_n3A : vector<16xi32> to vector<1x16xi32>
      tpu.vector_store %arg5[%swap3A_23, %swap3A_24], %swap3A_27 {strides = array<i32>} : memref<8x128xi32, #tpu.memory_space<vmem>>, vector<1x16xi32>,
      %get3A_28 = arith.constant 0 : i32
      %get3A_29 = arith.index_cast %get3A_28 : i32 to index
      %get3A_30 = arith.constant 16 : index
      %get3A_31 = tpu.vector_load %arg5[%get3A_29, %get3A_30] {strides = array<i32>} : memref<8x128xi32, #tpu.memory_space<vmem>>, vector<1x16xi32>,
      %get3A_32 = vector.shape_cast %get3A_31 : vector<1x16xi32> to vector<16xi32>
      %add3A_33 = arith.addi %get3A_32, %get3A_32 : vector<16xi32>
      %lt3A_34 = arith.constant 507904 : i32
      %lt3A_35 = vector.broadcast %lt3A_34 : i32 to vector<16xi32>
      %lt3A_36 = arith.cmpi slt, %get3A_32, %lt3A_35 : vector<16xi32>
      %sub3A_37 = arith.constant 999423 : i32
      %sub3A_38 = vector.broadcast %sub3A_37 : i32 to vector<16xi32>
      %sub3A_39 = arith.subi %add3A_33, %sub3A_38 : vector<16xi32>
      %select_n3A_40 = arith.select %lt3A_36, %add3A_33, %sub3A_39 : vector<16xi1>, vector<16xi32>
      %swap3A_41 = arith.constant 0 : i32
      %swap3A_42 = arith.index_cast %swap3A_41 : i32 to index
      %swap3A_43 = arith.constant 16 : index
      %swap3A_44 = tpu.vector_load %arg5[%swap3A_42, %swap3A_43] {strides = array<i32>} : memref<8x128xi32, #tpu.memory_space<vmem>>, vector<1x16xi32>,
      %swap3A_45 = vector.shape_cast %swap3A_44 : vector<1x16xi32> to vector<16xi32>
      %swap3A_46 = vector.shape_cast %select_n3A_40 : vector<16xi32> to vector<1x16xi32>
      tpu.vector_store %arg5[%swap3A_42, %swap3A_43], %swap3A_46 {strides = array<i32>} : memref<8x128xi32, #tpu.memory_space<vmem>>, vector<1x16xi32>,
      %get3A_47 = arith.constant 0 : i32
      %get3A_48 = arith.index_cast %get3A_47 : i32 to index
      %get3A_49 = arith.constant 32 : index
      %get3A_50 = tpu.vector_load %arg5[%get3A_48, %get3A_49] {strides = array<i32>} : memref<8x128xi32, #tpu.memory_space<vmem>>, vector<1x16xi32>,
      %get3A_51 = vector.shape_cast %get3A_50 : vector<1x16xi32> to vector<16xi32>
      %add3A_52 = arith.addi %get3A_51, %get3A_51 : vector<16xi32>
      %lt3A_53 = arith.constant 507904 : i32
      %lt3A_54 = vector.broadcast %lt3A_53 : i32 to vector<16xi32>
      %lt3A_55 = arith.cmpi slt, %get3A_51, %lt3A_54 : vector<16xi32>
      %sub3A_56 = arith.constant 999423 : i32
      %sub3A_57 = vector.broadcast %sub3A_56 : i32 to vector<16xi32>
      %sub3A_58 = arith.subi %add3A_52, %sub3A_57 : vector<16xi32>
      %select_n3A_59 = arith.select %lt3A_55, %add3A_52, %sub3A_58 : vector<16xi1>, vector<16xi32>
      %swap3A_60 = arith.constant 0 : i32
      %swap3A_61 = arith.index_cast %swap3A_60 : i32 to index
      %swap3A_62 = arith.constant 32 : index
      %swap3A_63 = tpu.vector_load %arg5[%swap3A_61, %swap3A_62] {strides = array<i32>} : memref<8x128xi32, #tpu.memory_space<vmem>>, vector<1x16xi32>,
      %swap3A_64 = vector.shape_cast %swap3A_63 : vector<1x16xi32> to vector<16xi32>
      %swap3A_65 = vector.shape_cast %select_n3A_59 : vector<16xi32> to vector<1x16xi32>
      tpu.vector_store %arg5[%swap3A_61, %swap3A_62], %swap3A_65 {strides = array<i32>} : memref<8x128xi32, #tpu.memory_space<vmem>>, vector<1x16xi32>,
      %get3A_66 = arith.constant 0 : i32
      %get3A_67 = arith.index_cast %get3A_66 : i32 to index
      %get3A_68 = arith.constant 48 : index
      %get3A_69 = tpu.vector_load %arg5[%get3A_67, %get3A_68] {strides = array<i32>} : memref<8x128xi32, #tpu.memory_space<vmem>>, vector<1x16xi32>,
      %get3A_70 = vector.shape_cast %get3A_69 : vector<1x16xi32> to vector<16xi32>
      %add3A_71 = arith.addi %get3A_70, %get3A_70 : vector<16xi32>
      %lt3A_72 = arith.constant 507904 : i32
      %lt3A_73 = vector.broadcast %lt3A_72 : i32 to vector<16xi32>
      %lt3A_74 = arith.cmpi slt, %get3A_70, %lt3A_73 : vector<16xi32>
      %sub3A_75 = arith.constant 999423 : i32
      %sub3A_76 = vector.broadcast %sub3A_75 : i32 to vector<16xi32>
      %sub3A_77 = arith.subi %add3A_71, %sub3A_76 : vector<16xi32>
      %select_n3A_78 = arith.select %lt3A_74, %add3A_71, %sub3A_77 : vector<16xi1>, vector<16xi32>
      %swap3A_79 = arith.constant 0 : i32
      %swap3A_80 = arith.index_cast %swap3A_79 : i32 to index
      %swap3A_81 = arith.constant 48 : index
      %swap3A_82 = tpu.vector_load %arg5[%swap3A_80, %swap3A_81] {strides = array<i32>} : memref<8x128xi32, #tpu.memory_space<vmem>>, vector<1x16xi32>,
      %swap3A_83 = vector.shape_cast %swap3A_82 : vector<1x16xi32> to vector<16xi32>
      %swap3A_84 = vector.shape_cast %select_n3A_78 : vector<16xi32> to vector<1x16xi32>
      tpu.vector_store %arg5[%swap3A_80, %swap3A_81], %swap3A_84 {strides = array<i32>} : memref<8x128xi32, #tpu.memory_space<vmem>>, vector<1x16xi32>,
      %get3A_85 = arith.constant 0 : i32
      %get3A_86 = arith.index_cast %get3A_85 : i32 to index
      %get3A_87 = arith.constant 64 : index
      %get3A_88 = tpu.vector_load %arg5[%get3A_86, %get3A_87] {strides = array<i32>} : memref<8x128xi32, #tpu.memory_space<vmem>>, vector<1x16xi32>,
      %get3A_89 = vector.shape_cast %get3A_88 : vector<1x16xi32> to vector<16xi32>
      %add3A_90 = arith.addi %get3A_89, %get3A_89 : vector<16xi32>
      %lt3A_91 = arith.constant 507904 : i32
      %lt3A_92 = vector.broadcast %lt3A_91 : i32 to vector<16xi32>
      %lt3A_93 = arith.cmpi slt, %get3A_89, %lt3A_92 : vector<16xi32>
      %sub3A_94 = arith.constant 999423 : i32
      %sub3A_95 = vector.broadcast %sub3A_94 : i32 to vector<16xi32>
      %sub3A_96 = arith.subi %add3A_90, %sub3A_95 : vector<16xi32>
      %select_n3A_97 = arith.select %lt3A_93, %add3A_90, %sub3A_96 : vector<16xi1>, vector<16xi32>
      %swap3A_98 = arith.constant 0 : i32
      %swap3A_99 = arith.index_cast %swap3A_98 : i32 to index
      %swap3A_100 = arith.constant 64 : index
      %swap3A_101 = tpu.vector_load %arg5[%swap3A_99, %swap3A_100] {strides = array<i32>} : memref<8x128xi32, #tpu.memory_space<vmem>>, vector<1x16xi32>,
      %swap3A_102 = vector.shape_cast %swap3A_101 : vector<1x16xi32> to vector<16xi32>
      %swap3A_103 = vector.shape_cast %select_n3A_97 : vector<16xi32> to vector<1x16xi32>
      tpu.vector_store %arg5[%swap3A_99, %swap3A_100], %swap3A_103 {strides = array<i32>} : memref<8x128xi32, #tpu.memory_space<vmem>>, vector<1x16xi32>,
      %get3A_104 = arith.constant 0 : i32
      %get3A_105 = arith.index_cast %get3A_104 : i32 to index
      %get3A_106 = arith.constant 80 : index
      %get3A_107 = tpu.vector_load %arg5[%get3A_105, %get3A_106] {strides = array<i32>} : memref<8x128xi32, #tpu.memory_space<vmem>>, vector<1x16xi32>,
      %get3A_108 = vector.shape_cast %get3A_107 : vector<1x16xi32> to vector<16xi32>
      %add3A_109 = arith.addi %get3A_108, %get3A_108 : vector<16xi32>
      %lt3A_110 = arith.constant 507904 : i32
      %lt3A_111 = vector.broadcast %lt3A_110 : i32 to vector<16xi32>
      %lt3A_112 = arith.cmpi slt, %get3A_108, %lt3A_111 : vector<16xi32>
      %sub3A_113 = arith.constant 999423 : i32
      %sub3A_114 = vector.broadcast %sub3A_113 : i32 to vector<16xi32>
      %sub3A_115 = arith.subi %add3A_109, %sub3A_114 : vector<16xi32>
      %select_n3A_116 = arith.select %lt3A_112, %add3A_109, %sub3A_115 : vector<16xi1>, vector<16xi32>
      %swap3A_117 = arith.constant 0 : i32
      %swap3A_118 = arith.index_cast %swap3A_117 : i32 to index
      %swap3A_119 = arith.constant 80 : index
      %swap3A_120 = tpu.vector_load %arg5[%swap3A_118, %swap3A_119] {strides = array<i32>} : memref<8x128xi32, #tpu.memory_space<vmem>>, vector<1x16xi32>,
      %swap3A_121 = vector.shape_cast %swap3A_120 : vector<1x16xi32> to vector<16xi32>
      %swap3A_122 = vector.shape_cast %select_n3A_116 : vector<16xi32> to vector<1x16xi32>
      tpu.vector_store %arg5[%swap3A_118, %swap3A_119], %swap3A_122 {strides = array<i32>} : memref<8x128xi32, #tpu.memory_space<vmem>>, vector<1x16xi32>,
      %get3A_123 = arith.constant 0 : i32
      %get3A_124 = arith.index_cast %get3A_123 : i32 to index
      %get3A_125 = arith.constant 96 : index
      %get3A_126 = tpu.vector_load %arg5[%get3A_124, %get3A_125] {strides = array<i32>} : memref<8x128xi32, #tpu.memory_space<vmem>>, vector<1x16xi32>,
      %get3A_127 = vector.shape_cast %get3A_126 : vector<1x16xi32> to vector<16xi32>
      %add3A_128 = arith.addi %get3A_127, %get3A_127 : vector<16xi32>
      %lt3A_129 = arith.constant 507904 : i32
      %lt3A_130 = vector.broadcast %lt3A_129 : i32 to vector<16xi32>
      %lt3A_131 = arith.cmpi slt, %get3A_127, %lt3A_130 : vector<16xi32>
      %sub3A_132 = arith.constant 999423 : i32
      %sub3A_133 = vector.broadcast %sub3A_132 : i32 to vector<16xi32>
      %sub3A_134 = arith.subi %add3A_128, %sub3A_133 : vector<16xi32>
      %select_n3A_135 = arith.select %lt3A_131, %add3A_128, %sub3A_134 : vector<16xi1>, vector<16xi32>
      %swap3A_136 = arith.constant 0 : i32
      %swap3A_137 = arith.index_cast %swap3A_136 : i32 to index
      %swap3A_138 = arith.constant 96 : index
      %swap3A_139 = tpu.vector_load %arg5[%swap3A_137, %swap3A_138] {strides = array<i32>} : memref<8x128xi32, #tpu.memory_space<vmem>>, vector<1x16xi32>,
      %swap3A_140 = vector.shape_cast %swap3A_139 : vector<1x16xi32> to vector<16xi32>
      %swap3A_141 = vector.shape_cast %select_n3A_135 : vector<16xi32> to vector<1x16xi32>
      tpu.vector_store %arg5[%swap3A_137, %swap3A_138], %swap3A_141 {strides = array<i32>} : memref<8x128xi32, #tpu.memory_space<vmem>>, vector<1x16xi32>,
      %get3A_142 = arith.constant 0 : i32
      %get3A_143 = arith.index_cast %get3A_142 : i32 to index
      %get3A_144 = arith.constant 112 : index
      %get3A_145 = tpu.vector_load %arg5[%get3A_143, %get3A_144] {strides = array<i32>} : memref<8x128xi32, #tpu.memory_space<vmem>>, vector<1x16xi32>,
      %get3A_146 = vector.shape_cast %get3A_145 : vector<1x16xi32> to vector<16xi32>
      %add3A_147 = arith.addi %get3A_146, %get3A_146 : vector<16xi32>
      %lt3A_148 = arith.constant 507904 : i32
      %lt3A_149 = vector.broadcast %lt3A_148 : i32 to vector<16xi32>
      %lt3A_150 = arith.cmpi slt, %get3A_146, %lt3A_149 : vector<16xi32>
      %sub3A_151 = arith.constant 999423 : i32
      %sub3A_152 = vector.broadcast %sub3A_151 : i32 to vector<16xi32>
      %sub3A_153 = arith.subi %add3A_147, %sub3A_152 : vector<16xi32>
      %select_n3A_154 = arith.select %lt3A_150, %add3A_147, %sub3A_153 : vector<16xi1>, vector<16xi32>
      %swap3A_155 = arith.constant 0 : i32
      %swap3A_156 = arith.index_cast %swap3A_155 : i32 to index
      %swap3A_157 = arith.constant 112 : index
      %swap3A_158 = tpu.vector_load %arg5[%swap3A_156, %swap3A_157] {strides = array<i32>} : memref<8x128xi32, #tpu.memory_space<vmem>>, vector<1x16xi32>,
      %swap3A_159 = vector.shape_cast %swap3A_158 : vector<1x16xi32> to vector<16xi32>
      %swap3A_160 = vector.shape_cast %select_n3A_154 : vector<16xi32> to vector<1x16xi32>
      tpu.vector_store %arg5[%swap3A_156, %swap3A_157], %swap3A_160 {strides = array<i32>} : memref<8x128xi32, #tpu.memory_space<vmem>>, vector<1x16xi32>,
      %get3A_161 = arith.constant 1 : i32
      %get3A_162 = arith.index_cast %get3A_161 : i32 to index
      %get3A_163 = arith.constant 0 : index
      %get3A_164 = tpu.vector_load %arg5[%get3A_162, %get3A_163] {strides = array<i32>} : memref<8x128xi32, #tpu.memory_space<vmem>>, vector<1x16xi32>,
      %get3A_165 = vector.shape_cast %get3A_164 : vector<1x16xi32> to vector<16xi32>
      %add3A_166 = arith.addi %get3A_165, %get3A_165 : vector<16xi32>
      %lt3A_167 = arith.constant 507904 : i32
      %lt3A_168 = vector.broadcast %lt3A_167 : i32 to vector<16xi32>
      %lt3A_169 = arith.cmpi slt, %get3A_165, %lt3A_168 : vector<16xi32>
      %sub3A_170 = arith.constant 999423 : i32
      %sub3A_171 = vector.broadcast %sub3A_170 : i32 to vector<16xi32>
      %sub3A_172 = arith.subi %add3A_166, %sub3A_171 : vector<16xi32>
      %select_n3A_173 = arith.select %lt3A_169, %add3A_166, %sub3A_172 : vector<16xi1>, vector<16xi32>
      %swap3A_174 = arith.constant 1 : i32
      %swap3A_175 = arith.index_cast %swap3A_174 : i32 to index
      %swap3A_176 = arith.constant 0 : index
      %swap3A_177 = tpu.vector_load %arg5[%swap3A_175, %swap3A_176] {strides = array<i32>} : memref<8x128xi32, #tpu.memory_space<vmem>>, vector<1x16xi32>,
      %swap3A_178 = vector.shape_cast %swap3A_177 : vector<1x16xi32> to vector<16xi32>
      %swap3A_179 = vector.shape_cast %select_n3A_173 : vector<16xi32> to vector<1x16xi32>
      tpu.vector_store %arg5[%swap3A_175, %swap3A_176], %swap3A_179 {strides = array<i32>} : memref<8x128xi32, #tpu.memory_space<vmem>>, vector<1x16xi32>,
      %get3A_180 = arith.constant 1 : i32
      %get3A_181 = arith.index_cast %get3A_180 : i32 to index
      %get3A_182 = arith.constant 16 : index
      %get3A_183 = tpu.vector_load %arg5[%get3A_181, %get3A_182] {strides = array<i32>} : memref<8x128xi32, #tpu.memory_space<vmem>>, vector<1x16xi32>,
      %get3A_184 = vector.shape_cast %get3A_183 : vector<1x16xi32> to vector<16xi32>
      %add3A_185 = arith.addi %get3A_184, %get3A_184 : vector<16xi32>
      %lt3A_186 = arith.constant 507904 : i32
      %lt3A_187 = vector.broadcast %lt3A_186 : i32 to vector<16xi32>
      %lt3A_188 = arith.cmpi slt, %get3A_184, %lt3A_187 : vector<16xi32>
      %sub3A_189 = arith.constant 999423 : i32
      %sub3A_190 = vector.broadcast %sub3A_189 : i32 to vector<16xi32>
      %sub3A_191 = arith.subi %add3A_185, %sub3A_190 : vector<16xi32>
      %select_n3A_192 = arith.select %lt3A_188, %add3A_185, %sub3A_191 : vector<16xi1>, vector<16xi32>
      %swap3A_193 = arith.constant 1 : i32
      %swap3A_194 = arith.index_cast %swap3A_193 : i32 to index
      %swap3A_195 = arith.constant 16 : index
      %swap3A_196 = tpu.vector_load %arg5[%swap3A_194, %swap3A_195] {strides = array<i32>} : memref<8x128xi32, #tpu.memory_space<vmem>>, vector<1x16xi32>,
      %swap3A_197 = vector.shape_cast %swap3A_196 : vector<1x16xi32> to vector<16xi32>
      %swap3A_198 = vector.shape_cast %select_n3A_192 : vector<16xi32> to vector<1x16xi32>
      tpu.vector_store %arg5[%swap3A_194, %swap3A_195], %swap3A_198 {strides = array<i32>} : memref<8x128xi32, #tpu.memory_space<vmem>>, vector<1x16xi32>,
      %get3A_199 = arith.constant 1 : i32
      %get3A_200 = arith.index_cast %get3A_199 : i32 to index
      %get3A_201 = arith.constant 32 : index
      %get3A_202 = tpu.vector_load %arg5[%get3A_200, %get3A_201] {strides = array<i32>} : memref<8x128xi32, #tpu.memory_space<vmem>>, vector<1x16xi32>,
      %get3A_203 = vector.shape_cast %get3A_202 : vector<1x16xi32> to vector<16xi32>
      %add3A_204 = arith.addi %get3A_203, %get3A_203 : vector<16xi32>
      %lt3A_205 = arith.constant 507904 : i32
      %lt3A_206 = vector.broadcast %lt3A_205 : i32 to vector<16xi32>
      %lt3A_207 = arith.cmpi slt, %get3A_203, %lt3A_206 : vector<16xi32>
      %sub3A_208 = arith.constant 999423 : i32
      %sub3A_209 = vector.broadcast %sub3A_208 : i32 to vector<16xi32>
      %sub3A_210 = arith.subi %add3A_204, %sub3A_209 : vector<16xi32>
      %select_n3A_211 = arith.select %lt3A_207, %add3A_204, %sub3A_210 : vector<16xi1>, vector<16xi32>
      %swap3A_212 = arith.constant 1 : i32
      %swap3A_213 = arith.index_cast %swap3A_212 : i32 to index
      %swap3A_214 = arith.constant 32 : index
      %swap3A_215 = tpu.vector_load %arg5[%swap3A_213, %swap3A_214] {strides = array<i32>} : memref<8x128xi32, #tpu.memory_space<vmem>>, vector<1x16xi32>,
      %swap3A_216 = vector.shape_cast %swap3A_215 : vector<1x16xi32> to vector<16xi32>
      %swap3A_217 = vector.shape_cast %select_n3A_211 : vector<16xi32> to vector<1x16xi32>
      tpu.vector_store %arg5[%swap3A_213, %swap3A_214], %swap3A_217 {strides = array<i32>} : memref<8x128xi32, #tpu.memory_space<vmem>>, vector<1x16xi32>,
      %get3A_218 = arith.constant 1 : i32
      %get3A_219 = arith.index_cast %get3A_218 : i32 to index
      %get3A_220 = arith.constant 48 : index
      %get3A_221 = tpu.vector_load %arg5[%get3A_219, %get3A_220] {strides = array<i32>} : memref<8x128xi32, #tpu.memory_space<vmem>>, vector<1x16xi32>,
      %get3A_222 = vector.shape_cast %get3A_221 : vector<1x16xi32> to vector<16xi32>
      %add3A_223 = arith.addi %get3A_222, %get3A_222 : vector<16xi32>
      %lt3A_224 = arith.constant 507904 : i32
      %lt3A_225 = vector.broadcast %lt3A_224 : i32 to vector<16xi32>
      %lt3A_226 = arith.cmpi slt, %get3A_222, %lt3A_225 : vector<16xi32>
      %sub3A_227 = arith.constant 999423 : i32
      %sub3A_228 = vector.broadcast %sub3A_227 : i32 to vector<16xi32>
      %sub3A_229 = arith.subi %add3A_223, %sub3A_228 : vector<16xi32>
      %select_n3A_230 = arith.select %lt3A_226, %add3A_223, %sub3A_229 : vector<16xi1>, vector<16xi32>
      %swap3A_231 = arith.constant 1 : i32
      %swap3A_232 = arith.index_cast %swap3A_231 : i32 to index
      %swap3A_233 = arith.constant 48 : index
      %swap3A_234 = tpu.vector_load %arg5[%swap3A_232, %swap3A_233] {strides = array<i32>} : memref<8x128xi32, #tpu.memory_space<vmem>>, vector<1x16xi32>,
      %swap3A_235 = vector.shape_cast %swap3A_234 : vector<1x16xi32> to vector<16xi32>
      %swap3A_236 = vector.shape_cast %select_n3A_230 : vector<16xi32> to vector<1x16xi32>
      tpu.vector_store %arg5[%swap3A_232, %swap3A_233], %swap3A_236 {strides = array<i32>} : memref<8x128xi32, #tpu.memory_space<vmem>>, vector<1x16xi32>,
      %get3A_237 = arith.constant 1 : i32
      %get3A_238 = arith.index_cast %get3A_237 : i32 to index
      %get3A_239 = arith.constant 64 : index
      %get3A_240 = tpu.vector_load %arg5[%get3A_238, %get3A_239] {strides = array<i32>} : memref<8x128xi32, #tpu.memory_space<vmem>>, vector<1x16xi32>,
      %get3A_241 = vector.shape_cast %get3A_240 : vector<1x16xi32> to vector<16xi32>
      %add3A_242 = arith.addi %get3A_241, %get3A_241 : vector<16xi32>
      %lt3A_243 = arith.constant 507904 : i32
      %lt3A_244 = vector.broadcast %lt3A_243 : i32 to vector<16xi32>
      %lt3A_245 = arith.cmpi slt, %get3A_241, %lt3A_244 : vector<16xi32>
      %sub3A_246 = arith.constant 999423 : i32
      %sub3A_247 = vector.broadcast %sub3A_246 : i32 to vector<16xi32>
      %sub3A_248 = arith.subi %add3A_242, %sub3A_247 : vector<16xi32>
      %select_n3A_249 = arith.select %lt3A_245, %add3A_242, %sub3A_248 : vector<16xi1>, vector<16xi32>
      %swap3A_250 = arith.constant 1 : i32
      %swap3A_251 = arith.index_cast %swap3A_250 : i32 to index
      %swap3A_252 = arith.constant 64 : index
      %swap3A_253 = tpu.vector_load %arg5[%swap3A_251, %swap3A_252] {strides = array<i32>} : memref<8x128xi32, #tpu.memory_space<vmem>>, vector<1x16xi32>,
      %swap3A_254 = vector.shape_cast %swap3A_253 : vector<1x16xi32> to vector<16xi32>
      %swap3A_255 = vector.shape_cast %select_n3A_249 : vector<16xi32> to vector<1x16xi32>
      tpu.vector_store %arg5[%swap3A_251, %swap3A_252], %swap3A_255 {strides = array<i32>} : memref<8x128xi32, #tpu.memory_space<vmem>>, vector<1x16xi32>,
      %get3A_256 = arith.constant 1 : i32
      %get3A_257 = arith.index_cast %get3A_256 : i32 to index
      %get3A_258 = arith.constant 80 : index
      %get3A_259 = tpu.vector_load %arg5[%get3A_257, %get3A_258] {strides = array<i32>} : memref<8x128xi32, #tpu.memory_space<vmem>>, vector<1x16xi32>,
      %get3A_260 = vector.shape_cast %get3A_259 : vector<1x16xi32> to vector<16xi32>
      %add3A_261 = arith.addi %get3A_260, %get3A_260 : vector<16xi32>
      %lt3A_262 = arith.constant 507904 : i32
      %lt3A_263 = vector.broadcast %lt3A_262 : i32 to vector<16xi32>
      %lt3A_264 = arith.cmpi slt, %get3A_260, %lt3A_263 : vector<16xi32>
      %sub3A_265 = arith.constant 999423 : i32
      %sub3A_266 = vector.broadcast %sub3A_265 : i32 to vector<16xi32>
      %sub3A_267 = arith.subi %add3A_261, %sub3A_266 : vector<16xi32>
      %select_n3A_268 = arith.select %lt3A_264, %add3A_261, %sub3A_267 : vector<16xi1>, vector<16xi32>
      %swap3A_269 = arith.constant 1 : i32
      %swap3A_270 = arith.index_cast %swap3A_269 : i32 to index
      %swap3A_271 = arith.constant 80 : index
      %swap3A_272 = tpu.vector_load %arg5[%swap3A_270, %swap3A_271] {strides = array<i32>} : memref<8x128xi32, #tpu.memory_space<vmem>>, vector<1x16xi32>,
      %swap3A_273 = vector.shape_cast %swap3A_272 : vector<1x16xi32> to vector<16xi32>
      %swap3A_274 = vector.shape_cast %select_n3A_268 : vector<16xi32> to vector<1x16xi32>
      tpu.vector_store %arg5[%swap3A_270, %swap3A_271], %swap3A_274 {strides = array<i32>} : memref<8x128xi32, #tpu.memory_space<vmem>>, vector<1x16xi32>,
      %get3A_275 = arith.constant 1 : i32
      %get3A_276 = arith.index_cast %get3A_275 : i32 to index
      %get3A_277 = arith.constant 96 : index
      %get3A_278 = tpu.vector_load %arg5[%get3A_276, %get3A_277] {strides = array<i32>} : memref<8x128xi32, #tpu.memory_space<vmem>>, vector<1x16xi32>,
      %get3A_279 = vector.shape_cast %get3A_278 : vector<1x16xi32> to vector<16xi32>
      %add3A_280 = arith.addi %get3A_279, %get3A_279 : vector<16xi32>
      %lt3A_281 = arith.constant 507904 : i32
      %lt3A_282 = vector.broadcast %lt3A_281 : i32 to vector<16xi32>
      %lt3A_283 = arith.cmpi slt, %get3A_279, %lt3A_282 : vector<16xi32>
      %sub3A_284 = arith.constant 999423 : i32
      %sub3A_285 = vector.broadcast %sub3A_284 : i32 to vector<16xi32>
      %sub3A_286 = arith.subi %add3A_280, %sub3A_285 : vector<16xi32>
      %select_n3A_287 = arith.select %lt3A_283, %add3A_280, %sub3A_286 : vector<16xi1>, vector<16xi32>
      %swap3A_288 = arith.constant 1 : i32
      %swap3A_289 = arith.index_cast %swap3A_288 : i32 to index
      %swap3A_290 = arith.constant 96 : index
      %swap3A_291 = tpu.vector_load %arg5[%swap3A_289, %swap3A_290] {strides = array<i32>} : memref<8x128xi32, #tpu.memory_space<vmem>>, vector<1x16xi32>,
      %swap3A_292 = vector.shape_cast %swap3A_291 : vector<1x16xi32> to vector<16xi32>
      %swap3A_293 = vector.shape_cast %select_n3A_287 : vector<16xi32> to vector<1x16xi32>
      tpu.vector_store %arg5[%swap3A_289, %swap3A_290], %swap3A_293 {strides = array<i32>} : memref<8x128xi32, #tpu.memory_space<vmem>>, vector<1x16xi32>,
      %get3A_294 = arith.constant 1 : i32
      %get3A_295 = arith.index_cast %get3A_294 : i32 to index
      %get3A_296 = arith.constant 112 : index
      %get3A_297 = tpu.vector_load %arg5[%get3A_295, %get3A_296] {strides = array<i32>} : memref<8x128xi32, #tpu.memory_space<vmem>>, vector<1x16xi32>,
      %get3A_298 = vector.shape_cast %get3A_297 : vector<1x16xi32> to vector<16xi32>
      %add3A_299 = arith.addi %get3A_298, %get3A_298 : vector<16xi32>
      %lt3A_300 = arith.constant 507904 : i32
      %lt3A_301 = vector.broadcast %lt3A_300 : i32 to vector<16xi32>
      %lt3A_302 = arith.cmpi slt, %get3A_298, %lt3A_301 : vector<16xi32>
      %sub3A_303 = arith.constant 999423 : i32
      %sub3A_304 = vector.broadcast %sub3A_303 : i32 to vector<16xi32>
      %sub3A_305 = arith.subi %add3A_299, %sub3A_304 : vector<16xi32>
      %select_n3A_306 = arith.select %lt3A_302, %add3A_299, %sub3A_305 : vector<16xi1>, vector<16xi32>
      %swap3A_307 = arith.constant 1 : i32
      %swap3A_308 = arith.index_cast %swap3A_307 : i32 to index
      %swap3A_309 = arith.constant 112 : index
      %swap3A_310 = tpu.vector_load %arg5[%swap3A_308, %swap3A_309] {strides = array<i32>} : memref<8x128xi32, #tpu.memory_space<vmem>>, vector<1x16xi32>,
      %swap3A_311 = vector.shape_cast %swap3A_310 : vector<1x16xi32> to vector<16xi32>
      %swap3A_312 = vector.shape_cast %select_n3A_306 : vector<16xi32> to vector<1x16xi32>
      tpu.vector_store %arg5[%swap3A_308, %swap3A_309], %swap3A_312 {strides = array<i32>} : memref<8x128xi32, #tpu.memory_space<vmem>>, vector<1x16xi32>,
      %get3A_313 = arith.constant 2 : i32
      %get3A_314 = arith.index_cast %get3A_313 : i32 to index
      %get3A_315 = arith.constant 0 : index
      %get3A_316 = tpu.vector_load %arg5[%get3A_314, %get3A_315] {strides = array<i32>} : memref<8x128xi32, #tpu.memory_space<vmem>>, vector<1x16xi32>,
      %get3A_317 = vector.shape_cast %get3A_316 : vector<1x16xi32> to vector<16xi32>
      %add3A_318 = arith.addi %get3A_317, %get3A_317 : vector<16xi32>
      %lt3A_319 = arith.constant 507904 : i32
      %lt3A_320 = vector.broadcast %lt3A_319 : i32 to vector<16xi32>
      %lt3A_321 = arith.cmpi slt, %get3A_317, %lt3A_320 : vector<16xi32>
      %sub3A_322 = arith.constant 999423 : i32
      %sub3A_323 = vector.broadcast %sub3A_322 : i32 to vector<16xi32>
      %sub3A_324 = arith.subi %add3A_318, %sub3A_323 : vector<16xi32>
      %select_n3A_325 = arith.select %lt3A_321, %add3A_318, %sub3A_324 : vector<16xi1>, vector<16xi32>
      %swap3A_326 = arith.constant 2 : i32
      %swap3A_327 = arith.index_cast %swap3A_326 : i32 to index
      %swap3A_328 = arith.constant 0 : index
      %swap3A_329 = tpu.vector_load %arg5[%swap3A_327, %swap3A_328] {strides = array<i32>} : memref<8x128xi32, #tpu.memory_space<vmem>>, vector<1x16xi32>,
      %swap3A_330 = vector.shape_cast %swap3A_329 : vector<1x16xi32> to vector<16xi32>
      %swap3A_331 = vector.shape_cast %select_n3A_325 : vector<16xi32> to vector<1x16xi32>
      tpu.vector_store %arg5[%swap3A_327, %swap3A_328], %swap3A_331 {strides = array<i32>} : memref<8x128xi32, #tpu.memory_space<vmem>>, vector<1x16xi32>,
      %get3A_332 = arith.constant 2 : i32
      %get3A_333 = arith.index_cast %get3A_332 : i32 to index
      %get3A_334 = arith.constant 16 : index
      %get3A_335 = tpu.vector_load %arg5[%get3A_333, %get3A_334] {strides = array<i32>} : memref<8x128xi32, #tpu.memory_space<vmem>>, vector<1x16xi32>,
      %get3A_336 = vector.shape_cast %get3A_335 : vector<1x16xi32> to vector<16xi32>
      %add3A_337 = arith.addi %get3A_336, %get3A_336 : vector<16xi32>
      %lt3A_338 = arith.constant 507904 : i32
      %lt3A_339 = vector.broadcast %lt3A_338 : i32 to vector<16xi32>
      %lt3A_340 = arith.cmpi slt, %get3A_336, %lt3A_339 : vector<16xi32>
      %sub3A_341 = arith.constant 999423 : i32
      %sub3A_342 = vector.broadcast %sub3A_341 : i32 to vector<16xi32>
      %sub3A_343 = arith.subi %add3A_337, %sub3A_342 : vector<16xi32>
      %select_n3A_344 = arith.select %lt3A_340, %add3A_337, %sub3A_343 : vector<16xi1>, vector<16xi32>
      %swap3A_345 = arith.constant 2 : i32
      %swap3A_346 = arith.index_cast %swap3A_345 : i32 to index
      %swap3A_347 = arith.constant 16 : index
      %swap3A_348 = tpu.vector_load %arg5[%swap3A_346, %swap3A_347] {strides = array<i32>} : memref<8x128xi32, #tpu.memory_space<vmem>>, vector<1x16xi32>,
      %swap3A_349 = vector.shape_cast %swap3A_348 : vector<1x16xi32> to vector<16xi32>
      %swap3A_350 = vector.shape_cast %select_n3A_344 : vector<16xi32> to vector<1x16xi32>
      tpu.vector_store %arg5[%swap3A_346, %swap3A_347], %swap3A_350 {strides = array<i32>} : memref<8x128xi32, #tpu.memory_space<vmem>>, vector<1x16xi32>,
      %get3A_351 = arith.constant 2 : i32
      %get3A_352 = arith.index_cast %get3A_351 : i32 to index
      %get3A_353 = arith.constant 32 : index
      %get3A_354 = tpu.vector_load %arg5[%get3A_352, %get3A_353] {strides = array<i32>} : memref<8x128xi32, #tpu.memory_space<vmem>>, vector<1x16xi32>,
      %get3A_355 = vector.shape_cast %get3A_354 : vector<1x16xi32> to vector<16xi32>
      %add3A_356 = arith.addi %get3A_355, %get3A_355 : vector<16xi32>
      %lt3A_357 = arith.constant 507904 : i32
      %lt3A_358 = vector.broadcast %lt3A_357 : i32 to vector<16xi32>
      %lt3A_359 = arith.cmpi slt, %get3A_355, %lt3A_358 : vector<16xi32>
      %sub3A_360 = arith.constant 999423 : i32
      %sub3A_361 = vector.broadcast %sub3A_360 : i32 to vector<16xi32>
      %sub3A_362 = arith.subi %add3A_356, %sub3A_361 : vector<16xi32>
      %select_n3A_363 = arith.select %lt3A_359, %add3A_356, %sub3A_362 : vector<16xi1>, vector<16xi32>
      %swap3A_364 = arith.constant 2 : i32
      %swap3A_365 = arith.index_cast %swap3A_364 : i32 to index
      %swap3A_366 = arith.constant 32 : index
      %swap3A_367 = tpu.vector_load %arg5[%swap3A_365, %swap3A_366] {strides = array<i32>} : memref<8x128xi32, #tpu.memory_space<vmem>>, vector<1x16xi32>,
      %swap3A_368 = vector.shape_cast %swap3A_367 : vector<1x16xi32> to vector<16xi32>
      %swap3A_369 = vector.shape_cast %select_n3A_363 : vector<16xi32> to vector<1x16xi32>
      tpu.vector_store %arg5[%swap3A_365, %swap3A_366], %swap3A_369 {strides = array<i32>} : memref<8x128xi32, #tpu.memory_space<vmem>>, vector<1x16xi32>,
      %get3A_370 = arith.constant 2 : i32
      %get3A_371 = arith.index_cast %get3A_370 : i32 to index
      %get3A_372 = arith.constant 48 : index
      %get3A_373 = tpu.vector_load %arg5[%get3A_371, %get3A_372] {strides = array<i32>} : memref<8x128xi32, #tpu.memory_space<vmem>>, vector<1x16xi32>,
      %get3A_374 = vector.shape_cast %get3A_373 : vector<1x16xi32> to vector<16xi32>
      %add3A_375 = arith.addi %get3A_374, %get3A_374 : vector<16xi32>
      %lt3A_376 = arith.constant 507904 : i32
      %lt3A_377 = vector.broadcast %lt3A_376 : i32 to vector<16xi32>
      %lt3A_378 = arith.cmpi slt, %get3A_374, %lt3A_377 : vector<16xi32>
      %sub3A_379 = arith.constant 999423 : i32
      %sub3A_380 = vector.broadcast %sub3A_379 : i32 to vector<16xi32>
      %sub3A_381 = arith.subi %add3A_375, %sub3A_380 : vector<16xi32>
      %select_n3A_382 = arith.select %lt3A_378, %add3A_375, %sub3A_381 : vector<16xi1>, vector<16xi32>
      %swap3A_383 = arith.constant 2 : i32
      %swap3A_384 = arith.index_cast %swap3A_383 : i32 to index
      %swap3A_385 = arith.constant 48 : index
      %swap3A_386 = tpu.vector_load %arg5[%swap3A_384, %swap3A_385] {strides = array<i32>} : memref<8x128xi32, #tpu.memory_space<vmem>>, vector<1x16xi32>,
      %swap3A_387 = vector.shape_cast %swap3A_386 : vector<1x16xi32> to vector<16xi32>
      %swap3A_388 = vector.shape_cast %select_n3A_382 : vector<16xi32> to vector<1x16xi32>
      tpu.vector_store %arg5[%swap3A_384, %swap3A_385], %swap3A_388 {strides = array<i32>} : memref<8x128xi32, #tpu.memory_space<vmem>>, vector<1x16xi32>,
      %get3A_389 = arith.constant 2 : i32
      %get3A_390 = arith.index_cast %get3A_389 : i32 to index
      %get3A_391 = arith.constant 64 : index
      %get3A_392 = tpu.vector_load %arg5[%get3A_390, %get3A_391] {strides = array<i32>} : memref<8x128xi32, #tpu.memory_space<vmem>>, vector<1x16xi32>,
      %get3A_393 = vector.shape_cast %get3A_392 : vector<1x16xi32> to vector<16xi32>
      %add3A_394 = arith.addi %get3A_393, %get3A_393 : vector<16xi32>
      %lt3A_395 = arith.constant 507904 : i32
      %lt3A_396 = vector.broadcast %lt3A_395 : i32 to vector<16xi32>
      %lt3A_397 = arith.cmpi slt, %get3A_393, %lt3A_396 : vector<16xi32>
      %sub3A_398 = arith.constant 999423 : i32
      %sub3A_399 = vector.broadcast %sub3A_398 : i32 to vector<16xi32>
      %sub3A_400 = arith.subi %add3A_394, %sub3A_399 : vector<16xi32>
      %select_n3A_401 = arith.select %lt3A_397, %add3A_394, %sub3A_400 : vector<16xi1>, vector<16xi32>
      %swap3A_402 = arith.constant 2 : i32
      %swap3A_403 = arith.index_cast %swap3A_402 : i32 to index
      %swap3A_404 = arith.constant 64 : index
      %swap3A_405 = tpu.vector_load %arg5[%swap3A_403, %swap3A_404] {strides = array<i32>} : memref<8x128xi32, #tpu.memory_space<vmem>>, vector<1x16xi32>,
      %swap3A_406 = vector.shape_cast %swap3A_405 : vector<1x16xi32> to vector<16xi32>
      %swap3A_407 = vector.shape_cast %select_n3A_401 : vector<16xi32> to vector<1x16xi32>
      tpu.vector_store %arg5[%swap3A_403, %swap3A_404], %swap3A_407 {strides = array<i32>} : memref<8x128xi32, #tpu.memory_space<vmem>>, vector<1x16xi32>,
      %get3A_408 = arith.constant 2 : i32
      %get3A_409 = arith.index_cast %get3A_408 : i32 to index
      %get3A_410 = arith.constant 80 : index
      %get3A_411 = tpu.vector_load %arg5[%get3A_409, %get3A_410] {strides = array<i32>} : memref<8x128xi32, #tpu.memory_space<vmem>>, vector<1x16xi32>,
      %get3A_412 = vector.shape_cast %get3A_411 : vector<1x16xi32> to vector<16xi32>
      %add3A_413 = arith.addi %get3A_412, %get3A_412 : vector<16xi32>
      %lt3A_414 = arith.constant 507904 : i32
      %lt3A_415 = vector.broadcast %lt3A_414 : i32 to vector<16xi32>
      %lt3A_416 = arith.cmpi slt, %get3A_412, %lt3A_415 : vector<16xi32>
      %sub3A_417 = arith.constant 999423 : i32
      %sub3A_418 = vector.broadcast %sub3A_417 : i32 to vector<16xi32>
      %sub3A_419 = arith.subi %add3A_413, %sub3A_418 : vector<16xi32>
      %select_n3A_420 = arith.select %lt3A_416, %add3A_413, %sub3A_419 : vector<16xi1>, vector<16xi32>
      %swap3A_421 = arith.constant 2 : i32
      %swap3A_422 = arith.index_cast %swap3A_421 : i32 to index
      %swap3A_423 = arith.constant 80 : index
      %swap3A_424 = tpu.vector_load %arg5[%swap3A_422, %swap3A_423] {strides = array<i32>} : memref<8x128xi32, #tpu.memory_space<vmem>>, vector<1x16xi32>,
      %swap3A_425 = vector.shape_cast %swap3A_424 : vector<1x16xi32> to vector<16xi32>
      %swap3A_426 = vector.shape_cast %select_n3A_420 : vector<16xi32> to vector<1x16xi32>
      tpu.vector_store %arg5[%swap3A_422, %swap3A_423], %swap3A_426 {strides = array<i32>} : memref<8x128xi32, #tpu.memory_space<vmem>>, vector<1x16xi32>,
      %get3A_427 = arith.constant 2 : i32
      %get3A_428 = arith.index_cast %get3A_427 : i32 to index
      %get3A_429 = arith.constant 96 : index
      %get3A_430 = tpu.vector_load %arg5[%get3A_428, %get3A_429] {strides = array<i32>} : memref<8x128xi32, #tpu.memory_space<vmem>>, vector<1x16xi32>,
      %get3A_431 = vector.shape_cast %get3A_430 : vector<1x16xi32> to vector<16xi32>
      %add3A_432 = arith.addi %get3A_431, %get3A_431 : vector<16xi32>
      %lt3A_433 = arith.constant 507904 : i32
      %lt3A_434 = vector.broadcast %lt3A_433 : i32 to vector<16xi32>
      %lt3A_435 = arith.cmpi slt, %get3A_431, %lt3A_434 : vector<16xi32>
      %sub3A_436 = arith.constant 999423 : i32
      %sub3A_437 = vector.broadcast %sub3A_436 : i32 to vector<16xi32>
      %sub3A_438 = arith.subi %add3A_432, %sub3A_437 : vector<16xi32>
      %select_n3A_439 = arith.select %lt3A_435, %add3A_432, %sub3A_438 : vector<16xi1>, vector<16xi32>
      %swap3A_440 = arith.constant 2 : i32
      %swap3A_441 = arith.index_cast %swap3A_440 : i32 to index
      %swap3A_442 = arith.constant 96 : index
      %swap3A_443 = tpu.vector_load %arg5[%swap3A_441, %swap3A_442] {strides = array<i32>} : memref<8x128xi32, #tpu.memory_space<vmem>>, vector<1x16xi32>,
      %swap3A_444 = vector.shape_cast %swap3A_443 : vector<1x16xi32> to vector<16xi32>
      %swap3A_445 = vector.shape_cast %select_n3A_439 : vector<16xi32> to vector<1x16xi32>
      tpu.vector_store %arg5[%swap3A_441, %swap3A_442], %swap3A_445 {strides = array<i32>} : memref<8x128xi32, #tpu.memory_space<vmem>>, vector<1x16xi32>,
      %get3A_446 = arith.constant 2 : i32
      %get3A_447 = arith.index_cast %get3A_446 : i32 to index
      %get3A_448 = arith.constant 112 : index
      %get3A_449 = tpu.vector_load %arg5[%get3A_447, %get3A_448] {strides = array<i32>} : memref<8x128xi32, #tpu.memory_space<vmem>>, vector<1x16xi32>,
      %get3A_450 = vector.shape_cast %get3A_449 : vector<1x16xi32> to vector<16xi32>
      %add3A_451 = arith.addi %get3A_450, %get3A_450 : vector<16xi32>
      %lt3A_452 = arith.constant 507904 : i32
      %lt3A_453 = vector.broadcast %lt3A_452 : i32 to vector<16xi32>
      %lt3A_454 = arith.cmpi slt, %get3A_450, %lt3A_453 : vector<16xi32>
      %sub3A_455 = arith.constant 999423 : i32
      %sub3A_456 = vector.broadcast %sub3A_455 : i32 to vector<16xi32>
      %sub3A_457 = arith.subi %add3A_451, %sub3A_456 : vector<16xi32>
      %select_n3A_458 = arith.select %lt3A_454, %add3A_451, %sub3A_457 : vector<16xi1>, vector<16xi32>
      %swap3A_459 = arith.constant 2 : i32
      %swap3A_460 = arith.index_cast %swap3A_459 : i32 to index
      %swap3A_461 = arith.constant 112 : index
      %swap3A_462 = tpu.vector_load %arg5[%swap3A_460, %swap3A_461] {strides = array<i32>} : memref<8x128xi32, #tpu.memory_space<vmem>>, vector<1x16xi32>,
      %swap3A_463 = vector.shape_cast %swap3A_462 : vector<1x16xi32> to vector<16xi32>
      %swap3A_464 = vector.shape_cast %select_n3A_458 : vector<16xi32> to vector<1x16xi32>
      tpu.vector_store %arg5[%swap3A_460, %swap3A_461], %swap3A_464 {strides = array<i32>} : memref<8x128xi32, #tpu.memory_space<vmem>>, vector<1x16xi32>,
      %get3A_465 = arith.constant 3 : i32
      %get3A_466 = arith.index_cast %get3A_465 : i32 to index
      %get3A_467 = arith.constant 0 : index
      %get3A_468 = tpu.vector_load %arg5[%get3A_466, %get3A_467] {strides = array<i32>} : memref<8x128xi32, #tpu.memory_space<vmem>>, vector<1x16xi32>,
      %get3A_469 = vector.shape_cast %get3A_468 : vector<1x16xi32> to vector<16xi32>
      %add3A_470 = arith.addi %get3A_469, %get3A_469 : vector<16xi32>
      %lt3A_471 = arith.constant 507904 : i32
      %lt3A_472 = vector.broadcast %lt3A_471 : i32 to vector<16xi32>
      %lt3A_473 = arith.cmpi slt, %get3A_469, %lt3A_472 : vector<16xi32>
      %sub3A_474 = arith.constant 999423 : i32
      %sub3A_475 = vector.broadcast %sub3A_474 : i32 to vector<16xi32>
      %sub3A_476 = arith.subi %add3A_470, %sub3A_475 : vector<16xi32>
      %select_n3A_477 = arith.select %lt3A_473, %add3A_470, %sub3A_476 : vector<16xi1>, vector<16xi32>
      %swap3A_478 = arith.constant 3 : i32
      %swap3A_479 = arith.index_cast %swap3A_478 : i32 to index
      %swap3A_480 = arith.constant 0 : index
      %swap3A_481 = tpu.vector_load %arg5[%swap3A_479, %swap3A_480] {strides = array<i32>} : memref<8x128xi32, #tpu.memory_space<vmem>>, vector<1x16xi32>,
      %swap3A_482 = vector.shape_cast %swap3A_481 : vector<1x16xi32> to vector<16xi32>
      %swap3A_483 = vector.shape_cast %select_n3A_477 : vector<16xi32> to vector<1x16xi32>
      tpu.vector_store %arg5[%swap3A_479, %swap3A_480], %swap3A_483 {strides = array<i32>} : memref<8x128xi32, #tpu.memory_space<vmem>>, vector<1x16xi32>,
      %get3A_484 = arith.constant 3 : i32
      %get3A_485 = arith.index_cast %get3A_484 : i32 to index
      %get3A_486 = arith.constant 16 : index
      %get3A_487 = tpu.vector_load %arg5[%get3A_485, %get3A_486] {strides = array<i32>} : memref<8x128xi32, #tpu.memory_space<vmem>>, vector<1x16xi32>,
      %get3A_488 = vector.shape_cast %get3A_487 : vector<1x16xi32> to vector<16xi32>
      %add3A_489 = arith.addi %get3A_488, %get3A_488 : vector<16xi32>
      %lt3A_490 = arith.constant 507904 : i32
      %lt3A_491 = vector.broadcast %lt3A_490 : i32 to vector<16xi32>
      %lt3A_492 = arith.cmpi slt, %get3A_488, %lt3A_491 : vector<16xi32>
      %sub3A_493 = arith.constant 999423 : i32
      %sub3A_494 = vector.broadcast %sub3A_493 : i32 to vector<16xi32>
      %sub3A_495 = arith.subi %add3A_489, %sub3A_494 : vector<16xi32>
      %select_n3A_496 = arith.select %lt3A_492, %add3A_489, %sub3A_495 : vector<16xi1>, vector<16xi32>
      %swap3A_497 = arith.constant 3 : i32
      %swap3A_498 = arith.index_cast %swap3A_497 : i32 to index
      %swap3A_499 = arith.constant 16 : index
      %swap3A_500 = tpu.vector_load %arg5[%swap3A_498, %swap3A_499] {strides = array<i32>} : memref<8x128xi32, #tpu.memory_space<vmem>>, vector<1x16xi32>,
      %swap3A_501 = vector.shape_cast %swap3A_500 : vector<1x16xi32> to vector<16xi32>
      %swap3A_502 = vector.shape_cast %select_n3A_496 : vector<16xi32> to vector<1x16xi32>
      tpu.vector_store %arg5[%swap3A_498, %swap3A_499], %swap3A_502 {strides = array<i32>} : memref<8x128xi32, #tpu.memory_space<vmem>>, vector<1x16xi32>,
      %get3A_503 = arith.constant 3 : i32
      %get3A_504 = arith.index_cast %get3A_503 : i32 to index
      %get3A_505 = arith.constant 32 : index
      %get3A_506 = tpu.vector_load %arg5[%get3A_504, %get3A_505] {strides = array<i32>} : memref<8x128xi32, #tpu.memory_space<vmem>>, vector<1x16xi32>,
      %get3A_507 = vector.shape_cast %get3A_506 : vector<1x16xi32> to vector<16xi32>
      %add3A_508 = arith.addi %get3A_507, %get3A_507 : vector<16xi32>
      %lt3A_509 = arith.constant 507904 : i32
      %lt3A_510 = vector.broadcast %lt3A_509 : i32 to vector<16xi32>
      %lt3A_511 = arith.cmpi slt, %get3A_507, %lt3A_510 : vector<16xi32>
      %sub3A_512 = arith.constant 999423 : i32
      %sub3A_513 = vector.broadcast %sub3A_512 : i32 to vector<16xi32>
      %sub3A_514 = arith.subi %add3A_508, %sub3A_513 : vector<16xi32>
      %select_n3A_515 = arith.select %lt3A_511, %add3A_508, %sub3A_514 : vector<16xi1>, vector<16xi32>
      %swap3A_516 = arith.constant 3 : i32
      %swap3A_517 = arith.index_cast %swap3A_516 : i32 to index
      %swap3A_518 = arith.constant 32 : index
      %swap3A_519 = tpu.vector_load %arg5[%swap3A_517, %swap3A_518] {strides = array<i32>} : memref<8x128xi32, #tpu.memory_space<vmem>>, vector<1x16xi32>,
      %swap3A_520 = vector.shape_cast %swap3A_519 : vector<1x16xi32> to vector<16xi32>
      %swap3A_521 = vector.shape_cast %select_n3A_515 : vector<16xi32> to vector<1x16xi32>
      tpu.vector_store %arg5[%swap3A_517, %swap3A_518], %swap3A_521 {strides = array<i32>} : memref<8x128xi32, #tpu.memory_space<vmem>>, vector<1x16xi32>,
      %get3A_522 = arith.constant 3 : i32
      %get3A_523 = arith.index_cast %get3A_522 : i32 to index
      %get3A_524 = arith.constant 48 : index
      %get3A_525 = tpu.vector_load %arg5[%get3A_523, %get3A_524] {strides = array<i32>} : memref<8x128xi32, #tpu.memory_space<vmem>>, vector<1x16xi32>,
      %get3A_526 = vector.shape_cast %get3A_525 : vector<1x16xi32> to vector<16xi32>
      %add3A_527 = arith.addi %get3A_526, %get3A_526 : vector<16xi32>
      %lt3A_528 = arith.constant 507904 : i32
      %lt3A_529 = vector.broadcast %lt3A_528 : i32 to vector<16xi32>
      %lt3A_530 = arith.cmpi slt, %get3A_526, %lt3A_529 : vector<16xi32>
      %sub3A_531 = arith.constant 999423 : i32
      %sub3A_532 = vector.broadcast %sub3A_531 : i32 to vector<16xi32>
      %sub3A_533 = arith.subi %add3A_527, %sub3A_532 : vector<16xi32>
      %select_n3A_534 = arith.select %lt3A_530, %add3A_527, %sub3A_533 : vector<16xi1>, vector<16xi32>
      %swap3A_535 = arith.constant 3 : i32
      %swap3A_536 = arith.index_cast %swap3A_535 : i32 to index
      %swap3A_537 = arith.constant 48 : index
      %swap3A_538 = tpu.vector_load %arg5[%swap3A_536, %swap3A_537] {strides = array<i32>} : memref<8x128xi32, #tpu.memory_space<vmem>>, vector<1x16xi32>,
      %swap3A_539 = vector.shape_cast %swap3A_538 : vector<1x16xi32> to vector<16xi32>
      %swap3A_540 = vector.shape_cast %select_n3A_534 : vector<16xi32> to vector<1x16xi32>
      tpu.vector_store %arg5[%swap3A_536, %swap3A_537], %swap3A_540 {strides = array<i32>} : memref<8x128xi32, #tpu.memory_space<vmem>>, vector<1x16xi32>,
      %get3A_541 = arith.constant 3 : i32
      %get3A_542 = arith.index_cast %get3A_541 : i32 to index
      %get3A_543 = arith.constant 64 : index
      %get3A_544 = tpu.vector_load %arg5[%get3A_542, %get3A_543] {strides = array<i32>} : memref<8x128xi32, #tpu.memory_space<vmem>>, vector<1x16xi32>,
      %get3A_545 = vector.shape_cast %get3A_544 : vector<1x16xi32> to vector<16xi32>
      %add3A_546 = arith.addi %get3A_545, %get3A_545 : vector<16xi32>
      %lt3A_547 = arith.constant 507904 : i32
      %lt3A_548 = vector.broadcast %lt3A_547 : i32 to vector<16xi32>
      %lt3A_549 = arith.cmpi slt, %get3A_545, %lt3A_548 : vector<16xi32>
      %sub3A_550 = arith.constant 999423 : i32
      %sub3A_551 = vector.broadcast %sub3A_550 : i32 to vector<16xi32>
      %sub3A_552 = arith.subi %add3A_546, %sub3A_551 : vector<16xi32>
      %select_n3A_553 = arith.select %lt3A_549, %add3A_546, %sub3A_552 : vector<16xi1>, vector<16xi32>
      %swap3A_554 = arith.constant 3 : i32
      %swap3A_555 = arith.index_cast %swap3A_554 : i32 to index
      %swap3A_556 = arith.constant 64 : index
      %swap3A_557 = tpu.vector_load %arg5[%swap3A_555, %swap3A_556] {strides = array<i32>} : memref<8x128xi32, #tpu.memory_space<vmem>>, vector<1x16xi32>,
      %swap3A_558 = vector.shape_cast %swap3A_557 : vector<1x16xi32> to vector<16xi32>
      %swap3A_559 = vector.shape_cast %select_n3A_553 : vector<16xi32> to vector<1x16xi32>
      tpu.vector_store %arg5[%swap3A_555, %swap3A_556], %swap3A_559 {strides = array<i32>} : memref<8x128xi32, #tpu.memory_space<vmem>>, vector<1x16xi32>,
      %get3A_560 = arith.constant 3 : i32
      %get3A_561 = arith.index_cast %get3A_560 : i32 to index
      %get3A_562 = arith.constant 80 : index
      %get3A_563 = tpu.vector_load %arg5[%get3A_561, %get3A_562] {strides = array<i32>} : memref<8x128xi32, #tpu.memory_space<vmem>>, vector<1x16xi32>,
      %get3A_564 = vector.shape_cast %get3A_563 : vector<1x16xi32> to vector<16xi32>
      %add3A_565 = arith.addi %get3A_564, %get3A_564 : vector<16xi32>
      %lt3A_566 = arith.constant 507904 : i32
      %lt3A_567 = vector.broadcast %lt3A_566 : i32 to vector<16xi32>
      %lt3A_568 = arith.cmpi slt, %get3A_564, %lt3A_567 : vector<16xi32>
      %sub3A_569 = arith.constant 999423 : i32
      %sub3A_570 = vector.broadcast %sub3A_569 : i32 to vector<16xi32>
      %sub3A_571 = arith.subi %add3A_565, %sub3A_570 : vector<16xi32>
      %select_n3A_572 = arith.select %lt3A_568, %add3A_565, %sub3A_571 : vector<16xi1>, vector<16xi32>
      %swap3A_573 = arith.constant 3 : i32
      %swap3A_574 = arith.index_cast %swap3A_573 : i32 to index
      %swap3A_575 = arith.constant 80 : index
      %swap3A_576 = tpu.vector_load %arg5[%swap3A_574, %swap3A_575] {strides = array<i32>} : memref<8x128xi32, #tpu.memory_space<vmem>>, vector<1x16xi32>,
      %swap3A_577 = vector.shape_cast %swap3A_576 : vector<1x16xi32> to vector<16xi32>
      %swap3A_578 = vector.shape_cast %select_n3A_572 : vector<16xi32> to vector<1x16xi32>
      tpu.vector_store %arg5[%swap3A_574, %swap3A_575], %swap3A_578 {strides = array<i32>} : memref<8x128xi32, #tpu.memory_space<vmem>>, vector<1x16xi32>,
      %get3A_579 = arith.constant 3 : i32
      %get3A_580 = arith.index_cast %get3A_579 : i32 to index
      %get3A_581 = arith.constant 96 : index
      %get3A_582 = tpu.vector_load %arg5[%get3A_580, %get3A_581] {strides = array<i32>} : memref<8x128xi32, #tpu.memory_space<vmem>>, vector<1x16xi32>,
      %get3A_583 = vector.shape_cast %get3A_582 : vector<1x16xi32> to vector<16xi32>
      %add3A_584 = arith.addi %get3A_583, %get3A_583 : vector<16xi32>
      %lt3A_585 = arith.constant 507904 : i32
      %lt3A_586 = vector.broadcast %lt3A_585 : i32 to vector<16xi32>
      %lt3A_587 = arith.cmpi slt, %get3A_583, %lt3A_586 : vector<16xi32>
      %sub3A_588 = arith.constant 999423 : i32
      %sub3A_589 = vector.broadcast %sub3A_588 : i32 to vector<16xi32>
      %sub3A_590 = arith.subi %add3A_584, %sub3A_589 : vector<16xi32>
      %select_n3A_591 = arith.select %lt3A_587, %add3A_584, %sub3A_590 : vector<16xi1>, vector<16xi32>
      %swap3A_592 = arith.constant 3 : i32
      %swap3A_593 = arith.index_cast %swap3A_592 : i32 to index
      %swap3A_594 = arith.constant 96 : index
      %swap3A_595 = tpu.vector_load %arg5[%swap3A_593, %swap3A_594] {strides = array<i32>} : memref<8x128xi32, #tpu.memory_space<vmem>>, vector<1x16xi32>,
      %swap3A_596 = vector.shape_cast %swap3A_595 : vector<1x16xi32> to vector<16xi32>
      %swap3A_597 = vector.shape_cast %select_n3A_591 : vector<16xi32> to vector<1x16xi32>
      tpu.vector_store %arg5[%swap3A_593, %swap3A_594], %swap3A_597 {strides = array<i32>} : memref<8x128xi32, #tpu.memory_space<vmem>>, vector<1x16xi32>,
      %get3A_598 = arith.constant 3 : i32
      %get3A_599 = arith.index_cast %get3A_598 : i32 to index
      %get3A_600 = arith.constant 112 : index
      %get3A_601 = tpu.vector_load %arg5[%get3A_599, %get3A_600] {strides = array<i32>} : memref<8x128xi32, #tpu.memory_space<vmem>>, vector<1x16xi32>,
      %get3A_602 = vector.shape_cast %get3A_601 : vector<1x16xi32> to vector<16xi32>
      %add3A_603 = arith.addi %get3A_602, %get3A_602 : vector<16xi32>
      %lt3A_604 = arith.constant 507904 : i32
      %lt3A_605 = vector.broadcast %lt3A_604 : i32 to vector<16xi32>
      %lt3A_606 = arith.cmpi slt, %get3A_602, %lt3A_605 : vector<16xi32>
      %sub3A_607 = arith.constant 999423 : i32
      %sub3A_608 = vector.broadcast %sub3A_607 : i32 to vector<16xi32>
      %sub3A_609 = arith.subi %add3A_603, %sub3A_608 : vector<16xi32>
      %select_n3A_610 = arith.select %lt3A_606, %add3A_603, %sub3A_609 : vector<16xi1>, vector<16xi32>
      %swap3A_611 = arith.constant 3 : i32
      %swap3A_612 = arith.index_cast %swap3A_611 : i32 to index
      %swap3A_613 = arith.constant 112 : index
      %swap3A_614 = tpu.vector_load %arg5[%swap3A_612, %swap3A_613] {strides = array<i32>} : memref<8x128xi32, #tpu.memory_space<vmem>>, vector<1x16xi32>,
      %swap3A_615 = vector.shape_cast %swap3A_614 : vector<1x16xi32> to vector<16xi32>
      %swap3A_616 = vector.shape_cast %select_n3A_610 : vector<16xi32> to vector<1x16xi32>
      tpu.vector_store %arg5[%swap3A_612, %swap3A_613], %swap3A_616 {strides = array<i32>} : memref<8x128xi32, #tpu.memory_space<vmem>>, vector<1x16xi32>,
      %get3A_617 = arith.constant 4 : i32
      %get3A_618 = arith.index_cast %get3A_617 : i32 to index
      %get3A_619 = arith.constant 0 : index
      %get3A_620 = tpu.vector_load %arg5[%get3A_618, %get3A_619] {strides = array<i32>} : memref<8x128xi32, #tpu.memory_space<vmem>>, vector<1x16xi32>,
      %get3A_621 = vector.shape_cast %get3A_620 : vector<1x16xi32> to vector<16xi32>
      %add3A_622 = arith.addi %get3A_621, %get3A_621 : vector<16xi32>
      %lt3A_623 = arith.constant 507904 : i32
      %lt3A_624 = vector.broadcast %lt3A_623 : i32 to vector<16xi32>
      %lt3A_625 = arith.cmpi slt, %get3A_621, %lt3A_624 : vector<16xi32>
      %sub3A_626 = arith.constant 999423 : i32
      %sub3A_627 = vector.broadcast %sub3A_626 : i32 to vector<16xi32>
      %sub3A_628 = arith.subi %add3A_622, %sub3A_627 : vector<16xi32>
      %select_n3A_629 = arith.select %lt3A_625, %add3A_622, %sub3A_628 : vector<16xi1>, vector<16xi32>
      %swap3A_630 = arith.constant 4 : i32
      %swap3A_631 = arith.index_cast %swap3A_630 : i32 to index
      %swap3A_632 = arith.constant 0 : index
      %swap3A_633 = tpu.vector_load %arg5[%swap3A_631, %swap3A_632] {strides = array<i32>} : memref<8x128xi32, #tpu.memory_space<vmem>>, vector<1x16xi32>,
      %swap3A_634 = vector.shape_cast %swap3A_633 : vector<1x16xi32> to vector<16xi32>
      %swap3A_635 = vector.shape_cast %select_n3A_629 : vector<16xi32> to vector<1x16xi32>
      tpu.vector_store %arg5[%swap3A_631, %swap3A_632], %swap3A_635 {strides = array<i32>} : memref<8x128xi32, #tpu.memory_space<vmem>>, vector<1x16xi32>,
      %get3A_636 = arith.constant 4 : i32
      %get3A_637 = arith.index_cast %get3A_636 : i32 to index
      %get3A_638 = arith.constant 16 : index
      %get3A_639 = tpu.vector_load %arg5[%get3A_637, %get3A_638] {strides = array<i32>} : memref<8x128xi32, #tpu.memory_space<vmem>>, vector<1x16xi32>,
      %get3A_640 = vector.shape_cast %get3A_639 : vector<1x16xi32> to vector<16xi32>
      %add3A_641 = arith.addi %get3A_640, %get3A_640 : vector<16xi32>
      %lt3A_642 = arith.constant 507904 : i32
      %lt3A_643 = vector.broadcast %lt3A_642 : i32 to vector<16xi32>
      %lt3A_644 = arith.cmpi slt, %get3A_640, %lt3A_643 : vector<16xi32>
      %sub3A_645 = arith.constant 999423 : i32
      %sub3A_646 = vector.broadcast %sub3A_645 : i32 to vector<16xi32>
      %sub3A_647 = arith.subi %add3A_641, %sub3A_646 : vector<16xi32>
      %select_n3A_648 = arith.select %lt3A_644, %add3A_641, %sub3A_647 : vector<16xi1>, vector<16xi32>
      %swap3A_649 = arith.constant 4 : i32
      %swap3A_650 = arith.index_cast %swap3A_649 : i32 to index
      %swap3A_651 = arith.constant 16 : index
      %swap3A_652 = tpu.vector_load %arg5[%swap3A_650, %swap3A_651] {strides = array<i32>} : memref<8x128xi32, #tpu.memory_space<vmem>>, vector<1x16xi32>,
      %swap3A_653 = vector.shape_cast %swap3A_652 : vector<1x16xi32> to vector<16xi32>
      %swap3A_654 = vector.shape_cast %select_n3A_648 : vector<16xi32> to vector<1x16xi32>
      tpu.vector_store %arg5[%swap3A_650, %swap3A_651], %swap3A_654 {strides = array<i32>} : memref<8x128xi32, #tpu.memory_space<vmem>>, vector<1x16xi32>,
      %get3A_655 = arith.constant 4 : i32
      %get3A_656 = arith.index_cast %get3A_655 : i32 to index
      %get3A_657 = arith.constant 32 : index
      %get3A_658 = tpu.vector_load %arg5[%get3A_656, %get3A_657] {strides = array<i32>} : memref<8x128xi32, #tpu.memory_space<vmem>>, vector<1x16xi32>,
      %get3A_659 = vector.shape_cast %get3A_658 : vector<1x16xi32> to vector<16xi32>
      %add3A_660 = arith.addi %get3A_659, %get3A_659 : vector<16xi32>
      %lt3A_661 = arith.constant 507904 : i32
      %lt3A_662 = vector.broadcast %lt3A_661 : i32 to vector<16xi32>
      %lt3A_663 = arith.cmpi slt, %get3A_659, %lt3A_662 : vector<16xi32>
      %sub3A_664 = arith.constant 999423 : i32
      %sub3A_665 = vector.broadcast %sub3A_664 : i32 to vector<16xi32>
      %sub3A_666 = arith.subi %add3A_660, %sub3A_665 : vector<16xi32>
      %select_n3A_667 = arith.select %lt3A_663, %add3A_660, %sub3A_666 : vector<16xi1>, vector<16xi32>
      %swap3A_668 = arith.constant 4 : i32
      %swap3A_669 = arith.index_cast %swap3A_668 : i32 to index
      %swap3A_670 = arith.constant 32 : index
      %swap3A_671 = tpu.vector_load %arg5[%swap3A_669, %swap3A_670] {strides = array<i32>} : memref<8x128xi32, #tpu.memory_space<vmem>>, vector<1x16xi32>,
      %swap3A_672 = vector.shape_cast %swap3A_671 : vector<1x16xi32> to vector<16xi32>
      %swap3A_673 = vector.shape_cast %select_n3A_667 : vector<16xi32> to vector<1x16xi32>
      tpu.vector_store %arg5[%swap3A_669, %swap3A_670], %swap3A_673 {strides = array<i32>} : memref<8x128xi32, #tpu.memory_space<vmem>>, vector<1x16xi32>,
      %get3A_674 = arith.constant 4 : i32
      %get3A_675 = arith.index_cast %get3A_674 : i32 to index
      %get3A_676 = arith.constant 48 : index
      %get3A_677 = tpu.vector_load %arg5[%get3A_675, %get3A_676] {strides = array<i32>} : memref<8x128xi32, #tpu.memory_space<vmem>>, vector<1x16xi32>,
      %get3A_678 = vector.shape_cast %get3A_677 : vector<1x16xi32> to vector<16xi32>
      %add3A_679 = arith.addi %get3A_678, %get3A_678 : vector<16xi32>
      %lt3A_680 = arith.constant 507904 : i32
      %lt3A_681 = vector.broadcast %lt3A_680 : i32 to vector<16xi32>
      %lt3A_682 = arith.cmpi slt, %get3A_678, %lt3A_681 : vector<16xi32>
      %sub3A_683 = arith.constant 999423 : i32
      %sub3A_684 = vector.broadcast %sub3A_683 : i32 to vector<16xi32>
      %sub3A_685 = arith.subi %add3A_679, %sub3A_684 : vector<16xi32>
      %select_n3A_686 = arith.select %lt3A_682, %add3A_679, %sub3A_685 : vector<16xi1>, vector<16xi32>
      %swap3A_687 = arith.constant 4 : i32
      %swap3A_688 = arith.index_cast %swap3A_687 : i32 to index
      %swap3A_689 = arith.constant 48 : index
      %swap3A_690 = tpu.vector_load %arg5[%swap3A_688, %swap3A_689] {strides = array<i32>} : memref<8x128xi32, #tpu.memory_space<vmem>>, vector<1x16xi32>,
      %swap3A_691 = vector.shape_cast %swap3A_690 : vector<1x16xi32> to vector<16xi32>
      %swap3A_692 = vector.shape_cast %select_n3A_686 : vector<16xi32> to vector<1x16xi32>
      tpu.vector_store %arg5[%swap3A_688, %swap3A_689], %swap3A_692 {strides = array<i32>} : memref<8x128xi32, #tpu.memory_space<vmem>>, vector<1x16xi32>,
      %get3A_693 = arith.constant 4 : i32
      %get3A_694 = arith.index_cast %get3A_693 : i32 to index
      %get3A_695 = arith.constant 64 : index
      %get3A_696 = tpu.vector_load %arg5[%get3A_694, %get3A_695] {strides = array<i32>} : memref<8x128xi32, #tpu.memory_space<vmem>>, vector<1x16xi32>,
      %get3A_697 = vector.shape_cast %get3A_696 : vector<1x16xi32> to vector<16xi32>
      %add3A_698 = arith.addi %get3A_697, %get3A_697 : vector<16xi32>
      %lt3A_699 = arith.constant 507904 : i32
      %lt3A_700 = vector.broadcast %lt3A_699 : i32 to vector<16xi32>
      %lt3A_701 = arith.cmpi slt, %get3A_697, %lt3A_700 : vector<16xi32>
      %sub3A_702 = arith.constant 999423 : i32
      %sub3A_703 = vector.broadcast %sub3A_702 : i32 to vector<16xi32>
      %sub3A_704 = arith.subi %add3A_698, %sub3A_703 : vector<16xi32>
      %select_n3A_705 = arith.select %lt3A_701, %add3A_698, %sub3A_704 : vector<16xi1>, vector<16xi32>
      %swap3A_706 = arith.constant 4 : i32
      %swap3A_707 = arith.index_cast %swap3A_706 : i32 to index
      %swap3A_708 = arith.constant 64 : index
      %swap3A_709 = tpu.vector_load %arg5[%swap3A_707, %swap3A_708] {strides = array<i32>} : memref<8x128xi32, #tpu.memory_space<vmem>>, vector<1x16xi32>,
      %swap3A_710 = vector.shape_cast %swap3A_709 : vector<1x16xi32> to vector<16xi32>
      %swap3A_711 = vector.shape_cast %select_n3A_705 : vector<16xi32> to vector<1x16xi32>
      tpu.vector_store %arg5[%swap3A_707, %swap3A_708], %swap3A_711 {strides = array<i32>} : memref<8x128xi32, #tpu.memory_space<vmem>>, vector<1x16xi32>,
      %get3A_712 = arith.constant 4 : i32
      %get3A_713 = arith.index_cast %get3A_712 : i32 to index
      %get3A_714 = arith.constant 80 : index
      %get3A_715 = tpu.vector_load %arg5[%get3A_713, %get3A_714] {strides = array<i32>} : memref<8x128xi32, #tpu.memory_space<vmem>>, vector<1x16xi32>,
      %get3A_716 = vector.shape_cast %get3A_715 : vector<1x16xi32> to vector<16xi32>
      %add3A_717 = arith.addi %get3A_716, %get3A_716 : vector<16xi32>
      %lt3A_718 = arith.constant 507904 : i32
      %lt3A_719 = vector.broadcast %lt3A_718 : i32 to vector<16xi32>
      %lt3A_720 = arith.cmpi slt, %get3A_716, %lt3A_719 : vector<16xi32>
      %sub3A_721 = arith.constant 999423 : i32
      %sub3A_722 = vector.broadcast %sub3A_721 : i32 to vector<16xi32>
      %sub3A_723 = arith.subi %add3A_717, %sub3A_722 : vector<16xi32>
      %select_n3A_724 = arith.select %lt3A_720, %add3A_717, %sub3A_723 : vector<16xi1>, vector<16xi32>
      %swap3A_725 = arith.constant 4 : i32
      %swap3A_726 = arith.index_cast %swap3A_725 : i32 to index
      %swap3A_727 = arith.constant 80 : index
      %swap3A_728 = tpu.vector_load %arg5[%swap3A_726, %swap3A_727] {strides = array<i32>} : memref<8x128xi32, #tpu.memory_space<vmem>>, vector<1x16xi32>,
      %swap3A_729 = vector.shape_cast %swap3A_728 : vector<1x16xi32> to vector<16xi32>
      %swap3A_730 = vector.shape_cast %select_n3A_724 : vector<16xi32> to vector<1x16xi32>
      tpu.vector_store %arg5[%swap3A_726, %swap3A_727], %swap3A_730 {strides = array<i32>} : memref<8x128xi32, #tpu.memory_space<vmem>>, vector<1x16xi32>,
      %get3A_731 = arith.constant 4 : i32
      %get3A_732 = arith.index_cast %get3A_731 : i32 to index
      %get3A_733 = arith.constant 96 : index
      %get3A_734 = tpu.vector_load %arg5[%get3A_732, %get3A_733] {strides = array<i32>} : memref<8x128xi32, #tpu.memory_space<vmem>>, vector<1x16xi32>,
      %get3A_735 = vector.shape_cast %get3A_734 : vector<1x16xi32> to vector<16xi32>
      %add3A_736 = arith.addi %get3A_735, %get3A_735 : vector<16xi32>
      %lt3A_737 = arith.constant 507904 : i32
      %lt3A_738 = vector.broadcast %lt3A_737 : i32 to vector<16xi32>
      %lt3A_739 = arith.cmpi slt, %get3A_735, %lt3A_738 : vector<16xi32>
      %sub3A_740 = arith.constant 999423 : i32
      %sub3A_741 = vector.broadcast %sub3A_740 : i32 to vector<16xi32>
      %sub3A_742 = arith.subi %add3A_736, %sub3A_741 : vector<16xi32>
      %select_n3A_743 = arith.select %lt3A_739, %add3A_736, %sub3A_742 : vector<16xi1>, vector<16xi32>
      %swap3A_744 = arith.constant 4 : i32
      %swap3A_745 = arith.index_cast %swap3A_744 : i32 to index
      %swap3A_746 = arith.constant 96 : index
      %swap3A_747 = tpu.vector_load %arg5[%swap3A_745, %swap3A_746] {strides = array<i32>} : memref<8x128xi32, #tpu.memory_space<vmem>>, vector<1x16xi32>,
      %swap3A_748 = vector.shape_cast %swap3A_747 : vector<1x16xi32> to vector<16xi32>
      %swap3A_749 = vector.shape_cast %select_n3A_743 : vector<16xi32> to vector<1x16xi32>
      tpu.vector_store %arg5[%swap3A_745, %swap3A_746], %swap3A_749 {strides = array<i32>} : memref<8x128xi32, #tpu.memory_space<vmem>>, vector<1x16xi32>,
      %get3A_750 = arith.constant 4 : i32
      %get3A_751 = arith.index_cast %get3A_750 : i32 to index
      %get3A_752 = arith.constant 112 : index
      %get3A_753 = tpu.vector_load %arg5[%get3A_751, %get3A_752] {strides = array<i32>} : memref<8x128xi32, #tpu.memory_space<vmem>>, vector<1x16xi32>,
      %get3A_754 = vector.shape_cast %get3A_753 : vector<1x16xi32> to vector<16xi32>
      %add3A_755 = arith.addi %get3A_754, %get3A_754 : vector<16xi32>
      %lt3A_756 = arith.constant 507904 : i32
      %lt3A_757 = vector.broadcast %lt3A_756 : i32 to vector<16xi32>
      %lt3A_758 = arith.cmpi slt, %get3A_754, %lt3A_757 : vector<16xi32>
      %sub3A_759 = arith.constant 999423 : i32
      %sub3A_760 = vector.broadcast %sub3A_759 : i32 to vector<16xi32>
      %sub3A_761 = arith.subi %add3A_755, %sub3A_760 : vector<16xi32>
      %select_n3A_762 = arith.select %lt3A_758, %add3A_755, %sub3A_761 : vector<16xi1>, vector<16xi32>
      %swap3A_763 = arith.constant 4 : i32
      %swap3A_764 = arith.index_cast %swap3A_763 : i32 to index
      %swap3A_765 = arith.constant 112 : index
      %swap3A_766 = tpu.vector_load %arg5[%swap3A_764, %swap3A_765] {strides = array<i32>} : memref<8x128xi32, #tpu.memory_space<vmem>>, vector<1x16xi32>,
      %swap3A_767 = vector.shape_cast %swap3A_766 : vector<1x16xi32> to vector<16xi32>
      %swap3A_768 = vector.shape_cast %select_n3A_762 : vector<16xi32> to vector<1x16xi32>
      tpu.vector_store %arg5[%swap3A_764, %swap3A_765], %swap3A_768 {strides = array<i32>} : memref<8x128xi32, #tpu.memory_space<vmem>>, vector<1x16xi32>,
      %get3A_769 = arith.constant 5 : i32
      %get3A_770 = arith.index_cast %get3A_769 : i32 to index
      %get3A_771 = arith.constant 0 : index
      %get3A_772 = tpu.vector_load %arg5[%get3A_770, %get3A_771] {strides = array<i32>} : memref<8x128xi32, #tpu.memory_space<vmem>>, vector<1x16xi32>,
      %get3A_773 = vector.shape_cast %get3A_772 : vector<1x16xi32> to vector<16xi32>
      %add3A_774 = arith.addi %get3A_773, %get3A_773 : vector<16xi32>
      %lt3A_775 = arith.constant 507904 : i32
      %lt3A_776 = vector.broadcast %lt3A_775 : i32 to vector<16xi32>
      %lt3A_777 = arith.cmpi slt, %get3A_773, %lt3A_776 : vector<16xi32>
      %sub3A_778 = arith.constant 999423 : i32
      %sub3A_779 = vector.broadcast %sub3A_778 : i32 to vector<16xi32>
      %sub3A_780 = arith.subi %add3A_774, %sub3A_779 : vector<16xi32>
      %select_n3A_781 = arith.select %lt3A_777, %add3A_774, %sub3A_780 : vector<16xi1>, vector<16xi32>
      %swap3A_782 = arith.constant 5 : i32
      %swap3A_783 = arith.index_cast %swap3A_782 : i32 to index
      %swap3A_784 = arith.constant 0 : index
      %swap3A_785 = tpu.vector_load %arg5[%swap3A_783, %swap3A_784] {strides = array<i32>} : memref<8x128xi32, #tpu.memory_space<vmem>>, vector<1x16xi32>,
      %swap3A_786 = vector.shape_cast %swap3A_785 : vector<1x16xi32> to vector<16xi32>
      %swap3A_787 = vector.shape_cast %select_n3A_781 : vector<16xi32> to vector<1x16xi32>
      tpu.vector_store %arg5[%swap3A_783, %swap3A_784], %swap3A_787 {strides = array<i32>} : memref<8x128xi32, #tpu.memory_space<vmem>>, vector<1x16xi32>,
      %get3A_788 = arith.constant 5 : i32
      %get3A_789 = arith.index_cast %get3A_788 : i32 to index
      %get3A_790 = arith.constant 16 : index
      %get3A_791 = tpu.vector_load %arg5[%get3A_789, %get3A_790] {strides = array<i32>} : memref<8x128xi32, #tpu.memory_space<vmem>>, vector<1x16xi32>,
      %get3A_792 = vector.shape_cast %get3A_791 : vector<1x16xi32> to vector<16xi32>
      %add3A_793 = arith.addi %get3A_792, %get3A_792 : vector<16xi32>
      %lt3A_794 = arith.constant 507904 : i32
      %lt3A_795 = vector.broadcast %lt3A_794 : i32 to vector<16xi32>
      %lt3A_796 = arith.cmpi slt, %get3A_792, %lt3A_795 : vector<16xi32>
      %sub3A_797 = arith.constant 999423 : i32
      %sub3A_798 = vector.broadcast %sub3A_797 : i32 to vector<16xi32>
      %sub3A_799 = arith.subi %add3A_793, %sub3A_798 : vector<16xi32>
      %select_n3A_800 = arith.select %lt3A_796, %add3A_793, %sub3A_799 : vector<16xi1>, vector<16xi32>
      %swap3A_801 = arith.constant 5 : i32
      %swap3A_802 = arith.index_cast %swap3A_801 : i32 to index
      %swap3A_803 = arith.constant 16 : index
      %swap3A_804 = tpu.vector_load %arg5[%swap3A_802, %swap3A_803] {strides = array<i32>} : memref<8x128xi32, #tpu.memory_space<vmem>>, vector<1x16xi32>,
      %swap3A_805 = vector.shape_cast %swap3A_804 : vector<1x16xi32> to vector<16xi32>
      %swap3A_806 = vector.shape_cast %select_n3A_800 : vector<16xi32> to vector<1x16xi32>
      tpu.vector_store %arg5[%swap3A_802, %swap3A_803], %swap3A_806 {strides = array<i32>} : memref<8x128xi32, #tpu.memory_space<vmem>>, vector<1x16xi32>,
      %get3A_807 = arith.constant 5 : i32
      %get3A_808 = arith.index_cast %get3A_807 : i32 to index
      %get3A_809 = arith.constant 32 : index
      %get3A_810 = tpu.vector_load %arg5[%get3A_808, %get3A_809] {strides = array<i32>} : memref<8x128xi32, #tpu.memory_space<vmem>>, vector<1x16xi32>,
      %get3A_811 = vector.shape_cast %get3A_810 : vector<1x16xi32> to vector<16xi32>
      %add3A_812 = arith.addi %get3A_811, %get3A_811 : vector<16xi32>
      %lt3A_813 = arith.constant 507904 : i32
      %lt3A_814 = vector.broadcast %lt3A_813 : i32 to vector<16xi32>
      %lt3A_815 = arith.cmpi slt, %get3A_811, %lt3A_814 : vector<16xi32>
      %sub3A_816 = arith.constant 999423 : i32
      %sub3A_817 = vector.broadcast %sub3A_816 : i32 to vector<16xi32>
      %sub3A_818 = arith.subi %add3A_812, %sub3A_817 : vector<16xi32>
      %select_n3A_819 = arith.select %lt3A_815, %add3A_812, %sub3A_818 : vector<16xi1>, vector<16xi32>
      %swap3A_820 = arith.constant 5 : i32
      %swap3A_821 = arith.index_cast %swap3A_820 : i32 to index
      %swap3A_822 = arith.constant 32 : index
      %swap3A_823 = tpu.vector_load %arg5[%swap3A_821, %swap3A_822] {strides = array<i32>} : memref<8x128xi32, #tpu.memory_space<vmem>>, vector<1x16xi32>,
      %swap3A_824 = vector.shape_cast %swap3A_823 : vector<1x16xi32> to vector<16xi32>
      %swap3A_825 = vector.shape_cast %select_n3A_819 : vector<16xi32> to vector<1x16xi32>
      tpu.vector_store %arg5[%swap3A_821, %swap3A_822], %swap3A_825 {strides = array<i32>} : memref<8x128xi32, #tpu.memory_space<vmem>>, vector<1x16xi32>,
      %get3A_826 = arith.constant 5 : i32
      %get3A_827 = arith.index_cast %get3A_826 : i32 to index
      %get3A_828 = arith.constant 48 : index
      %get3A_829 = tpu.vector_load %arg5[%get3A_827, %get3A_828] {strides = array<i32>} : memref<8x128xi32, #tpu.memory_space<vmem>>, vector<1x16xi32>,
      %get3A_830 = vector.shape_cast %get3A_829 : vector<1x16xi32> to vector<16xi32>
      %add3A_831 = arith.addi %get3A_830, %get3A_830 : vector<16xi32>
      %lt3A_832 = arith.constant 507904 : i32
      %lt3A_833 = vector.broadcast %lt3A_832 : i32 to vector<16xi32>
      %lt3A_834 = arith.cmpi slt, %get3A_830, %lt3A_833 : vector<16xi32>
      %sub3A_835 = arith.constant 999423 : i32
      %sub3A_836 = vector.broadcast %sub3A_835 : i32 to vector<16xi32>
      %sub3A_837 = arith.subi %add3A_831, %sub3A_836 : vector<16xi32>
      %select_n3A_838 = arith.select %lt3A_834, %add3A_831, %sub3A_837 : vector<16xi1>, vector<16xi32>
      %swap3A_839 = arith.constant 5 : i32
      %swap3A_840 = arith.index_cast %swap3A_839 : i32 to index
      %swap3A_841 = arith.constant 48 : index
      %swap3A_842 = tpu.vector_load %arg5[%swap3A_840, %swap3A_841] {strides = array<i32>} : memref<8x128xi32, #tpu.memory_space<vmem>>, vector<1x16xi32>,
      %swap3A_843 = vector.shape_cast %swap3A_842 : vector<1x16xi32> to vector<16xi32>
      %swap3A_844 = vector.shape_cast %select_n3A_838 : vector<16xi32> to vector<1x16xi32>
      tpu.vector_store %arg5[%swap3A_840, %swap3A_841], %swap3A_844 {strides = array<i32>} : memref<8x128xi32, #tpu.memory_space<vmem>>, vector<1x16xi32>,
      %get3A_845 = arith.constant 5 : i32
      %get3A_846 = arith.index_cast %get3A_845 : i32 to index
      %get3A_847 = arith.constant 64 : index
      %get3A_848 = tpu.vector_load %arg5[%get3A_846, %get3A_847] {strides = array<i32>} : memref<8x128xi32, #tpu.memory_space<vmem>>, vector<1x16xi32>,
      %get3A_849 = vector.shape_cast %get3A_848 : vector<1x16xi32> to vector<16xi32>
      %add3A_850 = arith.addi %get3A_849, %get3A_849 : vector<16xi32>
      %lt3A_851 = arith.constant 507904 : i32
      %lt3A_852 = vector.broadcast %lt3A_851 : i32 to vector<16xi32>
      %lt3A_853 = arith.cmpi slt, %get3A_849, %lt3A_852 : vector<16xi32>
      %sub3A_854 = arith.constant 999423 : i32
      %sub3A_855 = vector.broadcast %sub3A_854 : i32 to vector<16xi32>
      %sub3A_856 = arith.subi %add3A_850, %sub3A_855 : vector<16xi32>
      %select_n3A_857 = arith.select %lt3A_853, %add3A_850, %sub3A_856 : vector<16xi1>, vector<16xi32>
      %swap3A_858 = arith.constant 5 : i32
      %swap3A_859 = arith.index_cast %swap3A_858 : i32 to index
      %swap3A_860 = arith.constant 64 : index
      %swap3A_861 = tpu.vector_load %arg5[%swap3A_859, %swap3A_860] {strides = array<i32>} : memref<8x128xi32, #tpu.memory_space<vmem>>, vector<1x16xi32>,
      %swap3A_862 = vector.shape_cast %swap3A_861 : vector<1x16xi32> to vector<16xi32>
      %swap3A_863 = vector.shape_cast %select_n3A_857 : vector<16xi32> to vector<1x16xi32>
      tpu.vector_store %arg5[%swap3A_859, %swap3A_860], %swap3A_863 {strides = array<i32>} : memref<8x128xi32, #tpu.memory_space<vmem>>, vector<1x16xi32>,
      %get3A_864 = arith.constant 5 : i32
      %get3A_865 = arith.index_cast %get3A_864 : i32 to index
      %get3A_866 = arith.constant 80 : index
      %get3A_867 = tpu.vector_load %arg5[%get3A_865, %get3A_866] {strides = array<i32>} : memref<8x128xi32, #tpu.memory_space<vmem>>, vector<1x16xi32>,
      %get3A_868 = vector.shape_cast %get3A_867 : vector<1x16xi32> to vector<16xi32>
      %add3A_869 = arith.addi %get3A_868, %get3A_868 : vector<16xi32>
      %lt3A_870 = arith.constant 507904 : i32
      %lt3A_871 = vector.broadcast %lt3A_870 : i32 to vector<16xi32>
      %lt3A_872 = arith.cmpi slt, %get3A_868, %lt3A_871 : vector<16xi32>
      %sub3A_873 = arith.constant 999423 : i32
      %sub3A_874 = vector.broadcast %sub3A_873 : i32 to vector<16xi32>
      %sub3A_875 = arith.subi %add3A_869, %sub3A_874 : vector<16xi32>
      %select_n3A_876 = arith.select %lt3A_872, %add3A_869, %sub3A_875 : vector<16xi1>, vector<16xi32>
      %swap3A_877 = arith.constant 5 : i32
      %swap3A_878 = arith.index_cast %swap3A_877 : i32 to index
      %swap3A_879 = arith.constant 80 : index
      %swap3A_880 = tpu.vector_load %arg5[%swap3A_878, %swap3A_879] {strides = array<i32>} : memref<8x128xi32, #tpu.memory_space<vmem>>, vector<1x16xi32>,
      %swap3A_881 = vector.shape_cast %swap3A_880 : vector<1x16xi32> to vector<16xi32>
      %swap3A_882 = vector.shape_cast %select_n3A_876 : vector<16xi32> to vector<1x16xi32>
      tpu.vector_store %arg5[%swap3A_878, %swap3A_879], %swap3A_882 {strides = array<i32>} : memref<8x128xi32, #tpu.memory_space<vmem>>, vector<1x16xi32>,
      %get3A_883 = arith.constant 5 : i32
      %get3A_884 = arith.index_cast %get3A_883 : i32 to index
      %get3A_885 = arith.constant 96 : index
      %get3A_886 = tpu.vector_load %arg5[%get3A_884, %get3A_885] {strides = array<i32>} : memref<8x128xi32, #tpu.memory_space<vmem>>, vector<1x16xi32>,
      %get3A_887 = vector.shape_cast %get3A_886 : vector<1x16xi32> to vector<16xi32>
      %add3A_888 = arith.addi %get3A_887, %get3A_887 : vector<16xi32>
      %lt3A_889 = arith.constant 507904 : i32
      %lt3A_890 = vector.broadcast %lt3A_889 : i32 to vector<16xi32>
      %lt3A_891 = arith.cmpi slt, %get3A_887, %lt3A_890 : vector<16xi32>
      %sub3A_892 = arith.constant 999423 : i32
      %sub3A_893 = vector.broadcast %sub3A_892 : i32 to vector<16xi32>
      %sub3A_894 = arith.subi %add3A_888, %sub3A_893 : vector<16xi32>
      %select_n3A_895 = arith.select %lt3A_891, %add3A_888, %sub3A_894 : vector<16xi1>, vector<16xi32>
      %swap3A_896 = arith.constant 5 : i32
      %swap3A_897 = arith.index_cast %swap3A_896 : i32 to index
      %swap3A_898 = arith.constant 96 : index
      %swap3A_899 = tpu.vector_load %arg5[%swap3A_897, %swap3A_898] {strides = array<i32>} : memref<8x128xi32, #tpu.memory_space<vmem>>, vector<1x16xi32>,
      %swap3A_900 = vector.shape_cast %swap3A_899 : vector<1x16xi32> to vector<16xi32>
      %swap3A_901 = vector.shape_cast %select_n3A_895 : vector<16xi32> to vector<1x16xi32>
      tpu.vector_store %arg5[%swap3A_897, %swap3A_898], %swap3A_901 {strides = array<i32>} : memref<8x128xi32, #tpu.memory_space<vmem>>, vector<1x16xi32>,
      %get3A_902 = arith.constant 5 : i32
      %get3A_903 = arith.index_cast %get3A_902 : i32 to index
      %get3A_904 = arith.constant 112 : index
      %get3A_905 = tpu.vector_load %arg5[%get3A_903, %get3A_904] {strides = array<i32>} : memref<8x128xi32, #tpu.memory_space<vmem>>, vector<1x16xi32>,
      %get3A_906 = vector.shape_cast %get3A_905 : vector<1x16xi32> to vector<16xi32>
      %add3A_907 = arith.addi %get3A_906, %get3A_906 : vector<16xi32>
      %lt3A_908 = arith.constant 507904 : i32
      %lt3A_909 = vector.broadcast %lt3A_908 : i32 to vector<16xi32>
      %lt3A_910 = arith.cmpi slt, %get3A_906, %lt3A_909 : vector<16xi32>
      %sub3A_911 = arith.constant 999423 : i32
      %sub3A_912 = vector.broadcast %sub3A_911 : i32 to vector<16xi32>
      %sub3A_913 = arith.subi %add3A_907, %sub3A_912 : vector<16xi32>
      %select_n3A_914 = arith.select %lt3A_910, %add3A_907, %sub3A_913 : vector<16xi1>, vector<16xi32>
      %swap3A_915 = arith.constant 5 : i32
      %swap3A_916 = arith.index_cast %swap3A_915 : i32 to index
      %swap3A_917 = arith.constant 112 : index
      %swap3A_918 = tpu.vector_load %arg5[%swap3A_916, %swap3A_917] {strides = array<i32>} : memref<8x128xi32, #tpu.memory_space<vmem>>, vector<1x16xi32>,
      %swap3A_919 = vector.shape_cast %swap3A_918 : vector<1x16xi32> to vector<16xi32>
      %swap3A_920 = vector.shape_cast %select_n3A_914 : vector<16xi32> to vector<1x16xi32>
      tpu.vector_store %arg5[%swap3A_916, %swap3A_917], %swap3A_920 {strides = array<i32>} : memref<8x128xi32, #tpu.memory_space<vmem>>, vector<1x16xi32>,
      %get3A_921 = arith.constant 6 : i32
      %get3A_922 = arith.index_cast %get3A_921 : i32 to index
      %get3A_923 = arith.constant 0 : index
      %get3A_924 = tpu.vector_load %arg5[%get3A_922, %get3A_923] {strides = array<i32>} : memref<8x128xi32, #tpu.memory_space<vmem>>, vector<1x16xi32>,
      %get3A_925 = vector.shape_cast %get3A_924 : vector<1x16xi32> to vector<16xi32>
      %add3A_926 = arith.addi %get3A_925, %get3A_925 : vector<16xi32>
      %lt3A_927 = arith.constant 507904 : i32
      %lt3A_928 = vector.broadcast %lt3A_927 : i32 to vector<16xi32>
      %lt3A_929 = arith.cmpi slt, %get3A_925, %lt3A_928 : vector<16xi32>
      %sub3A_930 = arith.constant 999423 : i32
      %sub3A_931 = vector.broadcast %sub3A_930 : i32 to vector<16xi32>
      %sub3A_932 = arith.subi %add3A_926, %sub3A_931 : vector<16xi32>
      %select_n3A_933 = arith.select %lt3A_929, %add3A_926, %sub3A_932 : vector<16xi1>, vector<16xi32>
      %swap3A_934 = arith.constant 6 : i32
      %swap3A_935 = arith.index_cast %swap3A_934 : i32 to index
      %swap3A_936 = arith.constant 0 : index
      %swap3A_937 = tpu.vector_load %arg5[%swap3A_935, %swap3A_936] {strides = array<i32>} : memref<8x128xi32, #tpu.memory_space<vmem>>, vector<1x16xi32>,
      %swap3A_938 = vector.shape_cast %swap3A_937 : vector<1x16xi32> to vector<16xi32>
      %swap3A_939 = vector.shape_cast %select_n3A_933 : vector<16xi32> to vector<1x16xi32>
      tpu.vector_store %arg5[%swap3A_935, %swap3A_936], %swap3A_939 {strides = array<i32>} : memref<8x128xi32, #tpu.memory_space<vmem>>, vector<1x16xi32>,
      %get3A_940 = arith.constant 6 : i32
      %get3A_941 = arith.index_cast %get3A_940 : i32 to index
      %get3A_942 = arith.constant 16 : index
      %get3A_943 = tpu.vector_load %arg5[%get3A_941, %get3A_942] {strides = array<i32>} : memref<8x128xi32, #tpu.memory_space<vmem>>, vector<1x16xi32>,
      %get3A_944 = vector.shape_cast %get3A_943 : vector<1x16xi32> to vector<16xi32>
      %add3A_945 = arith.addi %get3A_944, %get3A_944 : vector<16xi32>
      %lt3A_946 = arith.constant 507904 : i32
      %lt3A_947 = vector.broadcast %lt3A_946 : i32 to vector<16xi32>
      %lt3A_948 = arith.cmpi slt, %get3A_944, %lt3A_947 : vector<16xi32>
      %sub3A_949 = arith.constant 999423 : i32
      %sub3A_950 = vector.broadcast %sub3A_949 : i32 to vector<16xi32>
      %sub3A_951 = arith.subi %add3A_945, %sub3A_950 : vector<16xi32>
      %select_n3A_952 = arith.select %lt3A_948, %add3A_945, %sub3A_951 : vector<16xi1>, vector<16xi32>
      %swap3A_953 = arith.constant 6 : i32
      %swap3A_954 = arith.index_cast %swap3A_953 : i32 to index
      %swap3A_955 = arith.constant 16 : index
      %swap3A_956 = tpu.vector_load %arg5[%swap3A_954, %swap3A_955] {strides = array<i32>} : memref<8x128xi32, #tpu.memory_space<vmem>>, vector<1x16xi32>,
      %swap3A_957 = vector.shape_cast %swap3A_956 : vector<1x16xi32> to vector<16xi32>
      %swap3A_958 = vector.shape_cast %select_n3A_952 : vector<16xi32> to vector<1x16xi32>
      tpu.vector_store %arg5[%swap3A_954, %swap3A_955], %swap3A_958 {strides = array<i32>} : memref<8x128xi32, #tpu.memory_space<vmem>>, vector<1x16xi32>,
      %get3A_959 = arith.constant 6 : i32
      %get3A_960 = arith.index_cast %get3A_959 : i32 to index
      %get3A_961 = arith.constant 32 : index
      %get3A_962 = tpu.vector_load %arg5[%get3A_960, %get3A_961] {strides = array<i32>} : memref<8x128xi32, #tpu.memory_space<vmem>>, vector<1x16xi32>,
      %get3A_963 = vector.shape_cast %get3A_962 : vector<1x16xi32> to vector<16xi32>
      %add3A_964 = arith.addi %get3A_963, %get3A_963 : vector<16xi32>
      %lt3A_965 = arith.constant 507904 : i32
      %lt3A_966 = vector.broadcast %lt3A_965 : i32 to vector<16xi32>
      %lt3A_967 = arith.cmpi slt, %get3A_963, %lt3A_966 : vector<16xi32>
      %sub3A_968 = arith.constant 999423 : i32
      %sub3A_969 = vector.broadcast %sub3A_968 : i32 to vector<16xi32>
      %sub3A_970 = arith.subi %add3A_964, %sub3A_969 : vector<16xi32>
      %select_n3A_971 = arith.select %lt3A_967, %add3A_964, %sub3A_970 : vector<16xi1>, vector<16xi32>
      %swap3A_972 = arith.constant 6 : i32
      %swap3A_973 = arith.index_cast %swap3A_972 : i32 to index
      %swap3A_974 = arith.constant 32 : index
      %swap3A_975 = tpu.vector_load %arg5[%swap3A_973, %swap3A_974] {strides = array<i32>} : memref<8x128xi32, #tpu.memory_space<vmem>>, vector<1x16xi32>,
      %swap3A_976 = vector.shape_cast %swap3A_975 : vector<1x16xi32> to vector<16xi32>
      %swap3A_977 = vector.shape_cast %select_n3A_971 : vector<16xi32> to vector<1x16xi32>
      tpu.vector_store %arg5[%swap3A_973, %swap3A_974], %swap3A_977 {strides = array<i32>} : memref<8x128xi32, #tpu.memory_space<vmem>>, vector<1x16xi32>,
      %get3A_978 = arith.constant 6 : i32
      %get3A_979 = arith.index_cast %get3A_978 : i32 to index
      %get3A_980 = arith.constant 48 : index
      %get3A_981 = tpu.vector_load %arg5[%get3A_979, %get3A_980] {strides = array<i32>} : memref<8x128xi32, #tpu.memory_space<vmem>>, vector<1x16xi32>,
      %get3A_982 = vector.shape_cast %get3A_981 : vector<1x16xi32> to vector<16xi32>
      %add3A_983 = arith.addi %get3A_982, %get3A_982 : vector<16xi32>
      %lt3A_984 = arith.constant 507904 : i32
      %lt3A_985 = vector.broadcast %lt3A_984 : i32 to vector<16xi32>
      %lt3A_986 = arith.cmpi slt, %get3A_982, %lt3A_985 : vector<16xi32>
      %sub3A_987 = arith.constant 999423 : i32
      %sub3A_988 = vector.broadcast %sub3A_987 : i32 to vector<16xi32>
      %sub3A_989 = arith.subi %add3A_983, %sub3A_988 : vector<16xi32>
      %select_n3A_990 = arith.select %lt3A_986, %add3A_983, %sub3A_989 : vector<16xi1>, vector<16xi32>
      %swap3A_991 = arith.constant 6 : i32
      %swap3A_992 = arith.index_cast %swap3A_991 : i32 to index
      %swap3A_993 = arith.constant 48 : index
      %swap3A_994 = tpu.vector_load %arg5[%swap3A_992, %swap3A_993] {strides = array<i32>} : memref<8x128xi32, #tpu.memory_space<vmem>>, vector<1x16xi32>,
      %swap3A_995 = vector.shape_cast %swap3A_994 : vector<1x16xi32> to vector<16xi32>
      %swap3A_996 = vector.shape_cast %select_n3A_990 : vector<16xi32> to vector<1x16xi32>
      tpu.vector_store %arg5[%swap3A_992, %swap3A_993], %swap3A_996 {strides = array<i32>} : memref<8x128xi32, #tpu.memory_space<vmem>>, vector<1x16xi32>,
      %get3A_997 = arith.constant 6 : i32
      %get3A_998 = arith.index_cast %get3A_997 : i32 to index
      %get3A_999 = arith.constant 64 : index
      %get3A_1000 = tpu.vector_load %arg5[%get3A_998, %get3A_999] {strides = array<i32>} : memref<8x128xi32, #tpu.memory_space<vmem>>, vector<1x16xi32>,
      %get3A_1001 = vector.shape_cast %get3A_1000 : vector<1x16xi32> to vector<16xi32>
      %add3A_1002 = arith.addi %get3A_1001, %get3A_1001 : vector<16xi32>
      %lt3A_1003 = arith.constant 507904 : i32
      %lt3A_1004 = vector.broadcast %lt3A_1003 : i32 to vector<16xi32>
      %lt3A_1005 = arith.cmpi slt, %get3A_1001, %lt3A_1004 : vector<16xi32>
      %sub3A_1006 = arith.constant 999423 : i32
      %sub3A_1007 = vector.broadcast %sub3A_1006 : i32 to vector<16xi32>
      %sub3A_1008 = arith.subi %add3A_1002, %sub3A_1007 : vector<16xi32>
      %select_n3A_1009 = arith.select %lt3A_1005, %add3A_1002, %sub3A_1008 : vector<16xi1>, vector<16xi32>
      %swap3A_1010 = arith.constant 6 : i32
      %swap3A_1011 = arith.index_cast %swap3A_1010 : i32 to index
      %swap3A_1012 = arith.constant 64 : index
      %swap3A_1013 = tpu.vector_load %arg5[%swap3A_1011, %swap3A_1012] {strides = array<i32>} : memref<8x128xi32, #tpu.memory_space<vmem>>, vector<1x16xi32>,
      %swap3A_1014 = vector.shape_cast %swap3A_1013 : vector<1x16xi32> to vector<16xi32>
      %swap3A_1015 = vector.shape_cast %select_n3A_1009 : vector<16xi32> to vector<1x16xi32>
      tpu.vector_store %arg5[%swap3A_1011, %swap3A_1012], %swap3A_1015 {strides = array<i32>} : memref<8x128xi32, #tpu.memory_space<vmem>>, vector<1x16xi32>,
      %get3A_1016 = arith.constant 6 : i32
      %get3A_1017 = arith.index_cast %get3A_1016 : i32 to index
      %get3A_1018 = arith.constant 80 : index
      %get3A_1019 = tpu.vector_load %arg5[%get3A_1017, %get3A_1018] {strides = array<i32>} : memref<8x128xi32, #tpu.memory_space<vmem>>, vector<1x16xi32>,
      %get3A_1020 = vector.shape_cast %get3A_1019 : vector<1x16xi32> to vector<16xi32>
      %add3A_1021 = arith.addi %get3A_1020, %get3A_1020 : vector<16xi32>
      %lt3A_1022 = arith.constant 507904 : i32
      %lt3A_1023 = vector.broadcast %lt3A_1022 : i32 to vector<16xi32>
      %lt3A_1024 = arith.cmpi slt, %get3A_1020, %lt3A_1023 : vector<16xi32>
      %sub3A_1025 = arith.constant 999423 : i32
      %sub3A_1026 = vector.broadcast %sub3A_1025 : i32 to vector<16xi32>
      %sub3A_1027 = arith.subi %add3A_1021, %sub3A_1026 : vector<16xi32>
      %select_n3A_1028 = arith.select %lt3A_1024, %add3A_1021, %sub3A_1027 : vector<16xi1>, vector<16xi32>
      %swap3A_1029 = arith.constant 6 : i32
      %swap3A_1030 = arith.index_cast %swap3A_1029 : i32 to index
      %swap3A_1031 = arith.constant 80 : index
      %swap3A_1032 = tpu.vector_load %arg5[%swap3A_1030, %swap3A_1031] {strides = array<i32>} : memref<8x128xi32, #tpu.memory_space<vmem>>, vector<1x16xi32>,
      %swap3A_1033 = vector.shape_cast %swap3A_1032 : vector<1x16xi32> to vector<16xi32>
      %swap3A_1034 = vector.shape_cast %select_n3A_1028 : vector<16xi32> to vector<1x16xi32>
      tpu.vector_store %arg5[%swap3A_1030, %swap3A_1031], %swap3A_1034 {strides = array<i32>} : memref<8x128xi32, #tpu.memory_space<vmem>>, vector<1x16xi32>,
      %get3A_1035 = arith.constant 6 : i32
      %get3A_1036 = arith.index_cast %get3A_1035 : i32 to index
      %get3A_1037 = arith.constant 96 : index
      %get3A_1038 = tpu.vector_load %arg5[%get3A_1036, %get3A_1037] {strides = array<i32>} : memref<8x128xi32, #tpu.memory_space<vmem>>, vector<1x16xi32>,
      %get3A_1039 = vector.shape_cast %get3A_1038 : vector<1x16xi32> to vector<16xi32>
      %add3A_1040 = arith.addi %get3A_1039, %get3A_1039 : vector<16xi32>
      %lt3A_1041 = arith.constant 507904 : i32
      %lt3A_1042 = vector.broadcast %lt3A_1041 : i32 to vector<16xi32>
      %lt3A_1043 = arith.cmpi slt, %get3A_1039, %lt3A_1042 : vector<16xi32>
      %sub3A_1044 = arith.constant 999423 : i32
      %sub3A_1045 = vector.broadcast %sub3A_1044 : i32 to vector<16xi32>
      %sub3A_1046 = arith.subi %add3A_1040, %sub3A_1045 : vector<16xi32>
      %select_n3A_1047 = arith.select %lt3A_1043, %add3A_1040, %sub3A_1046 : vector<16xi1>, vector<16xi32>
      %swap3A_1048 = arith.constant 6 : i32
      %swap3A_1049 = arith.index_cast %swap3A_1048 : i32 to index
      %swap3A_1050 = arith.constant 96 : index
      %swap3A_1051 = tpu.vector_load %arg5[%swap3A_1049, %swap3A_1050] {strides = array<i32>} : memref<8x128xi32, #tpu.memory_space<vmem>>, vector<1x16xi32>,
      %swap3A_1052 = vector.shape_cast %swap3A_1051 : vector<1x16xi32> to vector<16xi32>
      %swap3A_1053 = vector.shape_cast %select_n3A_1047 : vector<16xi32> to vector<1x16xi32>
      tpu.vector_store %arg5[%swap3A_1049, %swap3A_1050], %swap3A_1053 {strides = array<i32>} : memref<8x128xi32, #tpu.memory_space<vmem>>, vector<1x16xi32>,
      %get3A_1054 = arith.constant 6 : i32
      %get3A_1055 = arith.index_cast %get3A_1054 : i32 to index
      %get3A_1056 = arith.constant 112 : index
      %get3A_1057 = tpu.vector_load %arg5[%get3A_1055, %get3A_1056] {strides = array<i32>} : memref<8x128xi32, #tpu.memory_space<vmem>>, vector<1x16xi32>,
      %get3A_1058 = vector.shape_cast %get3A_1057 : vector<1x16xi32> to vector<16xi32>
      %add3A_1059 = arith.addi %get3A_1058, %get3A_1058 : vector<16xi32>
      %lt3A_1060 = arith.constant 507904 : i32
      %lt3A_1061 = vector.broadcast %lt3A_1060 : i32 to vector<16xi32>
      %lt3A_1062 = arith.cmpi slt, %get3A_1058, %lt3A_1061 : vector<16xi32>
      %sub3A_1063 = arith.constant 999423 : i32
      %sub3A_1064 = vector.broadcast %sub3A_1063 : i32 to vector<16xi32>
      %sub3A_1065 = arith.subi %add3A_1059, %sub3A_1064 : vector<16xi32>
      %select_n3A_1066 = arith.select %lt3A_1062, %add3A_1059, %sub3A_1065 : vector<16xi1>, vector<16xi32>
      %swap3A_1067 = arith.constant 6 : i32
      %swap3A_1068 = arith.index_cast %swap3A_1067 : i32 to index
      %swap3A_1069 = arith.constant 112 : index
      %swap3A_1070 = tpu.vector_load %arg5[%swap3A_1068, %swap3A_1069] {strides = array<i32>} : memref<8x128xi32, #tpu.memory_space<vmem>>, vector<1x16xi32>,
      %swap3A_1071 = vector.shape_cast %swap3A_1070 : vector<1x16xi32> to vector<16xi32>
      %swap3A_1072 = vector.shape_cast %select_n3A_1066 : vector<16xi32> to vector<1x16xi32>
      tpu.vector_store %arg5[%swap3A_1068, %swap3A_1069], %swap3A_1072 {strides = array<i32>} : memref<8x128xi32, #tpu.memory_space<vmem>>, vector<1x16xi32>,
      %get3A_1073 = arith.constant 7 : i32
      %get3A_1074 = arith.index_cast %get3A_1073 : i32 to index
      %get3A_1075 = arith.constant 0 : index
      %get3A_1076 = tpu.vector_load %arg5[%get3A_1074, %get3A_1075] {strides = array<i32>} : memref<8x128xi32, #tpu.memory_space<vmem>>, vector<1x16xi32>,
      %get3A_1077 = vector.shape_cast %get3A_1076 : vector<1x16xi32> to vector<16xi32>
      %add3A_1078 = arith.addi %get3A_1077, %get3A_1077 : vector<16xi32>
      %lt3A_1079 = arith.constant 507904 : i32
      %lt3A_1080 = vector.broadcast %lt3A_1079 : i32 to vector<16xi32>
      %lt3A_1081 = arith.cmpi slt, %get3A_1077, %lt3A_1080 : vector<16xi32>
      %sub3A_1082 = arith.constant 999423 : i32
      %sub3A_1083 = vector.broadcast %sub3A_1082 : i32 to vector<16xi32>
      %sub3A_1084 = arith.subi %add3A_1078, %sub3A_1083 : vector<16xi32>
      %select_n3A_1085 = arith.select %lt3A_1081, %add3A_1078, %sub3A_1084 : vector<16xi1>, vector<16xi32>
      %swap3A_1086 = arith.constant 7 : i32
      %swap3A_1087 = arith.index_cast %swap3A_1086 : i32 to index
      %swap3A_1088 = arith.constant 0 : index
      %swap3A_1089 = tpu.vector_load %arg5[%swap3A_1087, %swap3A_1088] {strides = array<i32>} : memref<8x128xi32, #tpu.memory_space<vmem>>, vector<1x16xi32>,
      %swap3A_1090 = vector.shape_cast %swap3A_1089 : vector<1x16xi32> to vector<16xi32>
      %swap3A_1091 = vector.shape_cast %select_n3A_1085 : vector<16xi32> to vector<1x16xi32>
      tpu.vector_store %arg5[%swap3A_1087, %swap3A_1088], %swap3A_1091 {strides = array<i32>} : memref<8x128xi32, #tpu.memory_space<vmem>>, vector<1x16xi32>,
      %get3A_1092 = arith.constant 7 : i32
      %get3A_1093 = arith.index_cast %get3A_1092 : i32 to index
      %get3A_1094 = arith.constant 16 : index
      %get3A_1095 = tpu.vector_load %arg5[%get3A_1093, %get3A_1094] {strides = array<i32>} : memref<8x128xi32, #tpu.memory_space<vmem>>, vector<1x16xi32>,
      %get3A_1096 = vector.shape_cast %get3A_1095 : vector<1x16xi32> to vector<16xi32>
      %add3A_1097 = arith.addi %get3A_1096, %get3A_1096 : vector<16xi32>
      %lt3A_1098 = arith.constant 507904 : i32
      %lt3A_1099 = vector.broadcast %lt3A_1098 : i32 to vector<16xi32>
      %lt3A_1100 = arith.cmpi slt, %get3A_1096, %lt3A_1099 : vector<16xi32>
      %sub3A_1101 = arith.constant 999423 : i32
      %sub3A_1102 = vector.broadcast %sub3A_1101 : i32 to vector<16xi32>
      %sub3A_1103 = arith.subi %add3A_1097, %sub3A_1102 : vector<16xi32>
      %select_n3A_1104 = arith.select %lt3A_1100, %add3A_1097, %sub3A_1103 : vector<16xi1>, vector<16xi32>
      %swap3A_1105 = arith.constant 7 : i32
      %swap3A_1106 = arith.index_cast %swap3A_1105 : i32 to index
      %swap3A_1107 = arith.constant 16 : index
      %swap3A_1108 = tpu.vector_load %arg5[%swap3A_1106, %swap3A_1107] {strides = array<i32>} : memref<8x128xi32, #tpu.memory_space<vmem>>, vector<1x16xi32>,
      %swap3A_1109 = vector.shape_cast %swap3A_1108 : vector<1x16xi32> to vector<16xi32>
      %swap3A_1110 = vector.shape_cast %select_n3A_1104 : vector<16xi32> to vector<1x16xi32>
      tpu.vector_store %arg5[%swap3A_1106, %swap3A_1107], %swap3A_1110 {strides = array<i32>} : memref<8x128xi32, #tpu.memory_space<vmem>>, vector<1x16xi32>,
      %get3A_1111 = arith.constant 7 : i32
      %get3A_1112 = arith.index_cast %get3A_1111 : i32 to index
      %get3A_1113 = arith.constant 32 : index
      %get3A_1114 = tpu.vector_load %arg5[%get3A_1112, %get3A_1113] {strides = array<i32>} : memref<8x128xi32, #tpu.memory_space<vmem>>, vector<1x16xi32>,
      %get3A_1115 = vector.shape_cast %get3A_1114 : vector<1x16xi32> to vector<16xi32>
      %add3A_1116 = arith.addi %get3A_1115, %get3A_1115 : vector<16xi32>
      %lt3A_1117 = arith.constant 507904 : i32
      %lt3A_1118 = vector.broadcast %lt3A_1117 : i32 to vector<16xi32>
      %lt3A_1119 = arith.cmpi slt, %get3A_1115, %lt3A_1118 : vector<16xi32>
      %sub3A_1120 = arith.constant 999423 : i32
      %sub3A_1121 = vector.broadcast %sub3A_1120 : i32 to vector<16xi32>
      %sub3A_1122 = arith.subi %add3A_1116, %sub3A_1121 : vector<16xi32>
      %select_n3A_1123 = arith.select %lt3A_1119, %add3A_1116, %sub3A_1122 : vector<16xi1>, vector<16xi32>
      %swap3A_1124 = arith.constant 7 : i32
      %swap3A_1125 = arith.index_cast %swap3A_1124 : i32 to index
      %swap3A_1126 = arith.constant 32 : index
      %swap3A_1127 = tpu.vector_load %arg5[%swap3A_1125, %swap3A_1126] {strides = array<i32>} : memref<8x128xi32, #tpu.memory_space<vmem>>, vector<1x16xi32>,
      %swap3A_1128 = vector.shape_cast %swap3A_1127 : vector<1x16xi32> to vector<16xi32>
      %swap3A_1129 = vector.shape_cast %select_n3A_1123 : vector<16xi32> to vector<1x16xi32>
      tpu.vector_store %arg5[%swap3A_1125, %swap3A_1126], %swap3A_1129 {strides = array<i32>} : memref<8x128xi32, #tpu.memory_space<vmem>>, vector<1x16xi32>,
      %get3A_1130 = arith.constant 7 : i32
      %get3A_1131 = arith.index_cast %get3A_1130 : i32 to index
      %get3A_1132 = arith.constant 48 : index
      %get3A_1133 = tpu.vector_load %arg5[%get3A_1131, %get3A_1132] {strides = array<i32>} : memref<8x128xi32, #tpu.memory_space<vmem>>, vector<1x16xi32>,
      %get3A_1134 = vector.shape_cast %get3A_1133 : vector<1x16xi32> to vector<16xi32>
      %add3A_1135 = arith.addi %get3A_1134, %get3A_1134 : vector<16xi32>
      %lt3A_1136 = arith.constant 507904 : i32
      %lt3A_1137 = vector.broadcast %lt3A_1136 : i32 to vector<16xi32>
      %lt3A_1138 = arith.cmpi slt, %get3A_1134, %lt3A_1137 : vector<16xi32>
      %sub3A_1139 = arith.constant 999423 : i32
      %sub3A_1140 = vector.broadcast %sub3A_1139 : i32 to vector<16xi32>
      %sub3A_1141 = arith.subi %add3A_1135, %sub3A_1140 : vector<16xi32>
      %select_n3A_1142 = arith.select %lt3A_1138, %add3A_1135, %sub3A_1141 : vector<16xi1>, vector<16xi32>
      %swap3A_1143 = arith.constant 7 : i32
      %swap3A_1144 = arith.index_cast %swap3A_1143 : i32 to index
      %swap3A_1145 = arith.constant 48 : index
      %swap3A_1146 = tpu.vector_load %arg5[%swap3A_1144, %swap3A_1145] {strides = array<i32>} : memref<8x128xi32, #tpu.memory_space<vmem>>, vector<1x16xi32>,
      %swap3A_1147 = vector.shape_cast %swap3A_1146 : vector<1x16xi32> to vector<16xi32>
      %swap3A_1148 = vector.shape_cast %select_n3A_1142 : vector<16xi32> to vector<1x16xi32>
      tpu.vector_store %arg5[%swap3A_1144, %swap3A_1145], %swap3A_1148 {strides = array<i32>} : memref<8x128xi32, #tpu.memory_space<vmem>>, vector<1x16xi32>,
      %get3A_1149 = arith.constant 7 : i32
      %get3A_1150 = arith.index_cast %get3A_1149 : i32 to index
      %get3A_1151 = arith.constant 64 : index
      %get3A_1152 = tpu.vector_load %arg5[%get3A_1150, %get3A_1151] {strides = array<i32>} : memref<8x128xi32, #tpu.memory_space<vmem>>, vector<1x16xi32>,
      %get3A_1153 = vector.shape_cast %get3A_1152 : vector<1x16xi32> to vector<16xi32>
      %add3A_1154 = arith.addi %get3A_1153, %get3A_1153 : vector<16xi32>
      %lt3A_1155 = arith.constant 507904 : i32
      %lt3A_1156 = vector.broadcast %lt3A_1155 : i32 to vector<16xi32>
      %lt3A_1157 = arith.cmpi slt, %get3A_1153, %lt3A_1156 : vector<16xi32>
      %sub3A_1158 = arith.constant 999423 : i32
      %sub3A_1159 = vector.broadcast %sub3A_1158 : i32 to vector<16xi32>
      %sub3A_1160 = arith.subi %add3A_1154, %sub3A_1159 : vector<16xi32>
      %select_n3A_1161 = arith.select %lt3A_1157, %add3A_1154, %sub3A_1160 : vector<16xi1>, vector<16xi32>
      %swap3A_1162 = arith.constant 7 : i32
      %swap3A_1163 = arith.index_cast %swap3A_1162 : i32 to index
      %swap3A_1164 = arith.constant 64 : index
      %swap3A_1165 = tpu.vector_load %arg5[%swap3A_1163, %swap3A_1164] {strides = array<i32>} : memref<8x128xi32, #tpu.memory_space<vmem>>, vector<1x16xi32>,
      %swap3A_1166 = vector.shape_cast %swap3A_1165 : vector<1x16xi32> to vector<16xi32>
      %swap3A_1167 = vector.shape_cast %select_n3A_1161 : vector<16xi32> to vector<1x16xi32>
      tpu.vector_store %arg5[%swap3A_1163, %swap3A_1164], %swap3A_1167 {strides = array<i32>} : memref<8x128xi32, #tpu.memory_space<vmem>>, vector<1x16xi32>,
      %get3A_1168 = arith.constant 7 : i32
      %get3A_1169 = arith.index_cast %get3A_1168 : i32 to index
      %get3A_1170 = arith.constant 80 : index
      %get3A_1171 = tpu.vector_load %arg5[%get3A_1169, %get3A_1170] {strides = array<i32>} : memref<8x128xi32, #tpu.memory_space<vmem>>, vector<1x16xi32>,
      %get3A_1172 = vector.shape_cast %get3A_1171 : vector<1x16xi32> to vector<16xi32>
      %add3A_1173 = arith.addi %get3A_1172, %get3A_1172 : vector<16xi32>
      %lt3A_1174 = arith.constant 507904 : i32
      %lt3A_1175 = vector.broadcast %lt3A_1174 : i32 to vector<16xi32>
      %lt3A_1176 = arith.cmpi slt, %get3A_1172, %lt3A_1175 : vector<16xi32>
      %sub3A_1177 = arith.constant 999423 : i32
      %sub3A_1178 = vector.broadcast %sub3A_1177 : i32 to vector<16xi32>
      %sub3A_1179 = arith.subi %add3A_1173, %sub3A_1178 : vector<16xi32>
      %select_n3A_1180 = arith.select %lt3A_1176, %add3A_1173, %sub3A_1179 : vector<16xi1>, vector<16xi32>
      %swap3A_1181 = arith.constant 7 : i32
      %swap3A_1182 = arith.index_cast %swap3A_1181 : i32 to index
      %swap3A_1183 = arith.constant 80 : index
      %swap3A_1184 = tpu.vector_load %arg5[%swap3A_1182, %swap3A_1183] {strides = array<i32>} : memref<8x128xi32, #tpu.memory_space<vmem>>, vector<1x16xi32>,
      %swap3A_1185 = vector.shape_cast %swap3A_1184 : vector<1x16xi32> to vector<16xi32>
      %swap3A_1186 = vector.shape_cast %select_n3A_1180 : vector<16xi32> to vector<1x16xi32>
      tpu.vector_store %arg5[%swap3A_1182, %swap3A_1183], %swap3A_1186 {strides = array<i32>} : memref<8x128xi32, #tpu.memory_space<vmem>>, vector<1x16xi32>,
      %get3A_1187 = arith.constant 7 : i32
      %get3A_1188 = arith.index_cast %get3A_1187 : i32 to index
      %get3A_1189 = arith.constant 96 : index
      %get3A_1190 = tpu.vector_load %arg5[%get3A_1188, %get3A_1189] {strides = array<i32>} : memref<8x128xi32, #tpu.memory_space<vmem>>, vector<1x16xi32>,
      %get3A_1191 = vector.shape_cast %get3A_1190 : vector<1x16xi32> to vector<16xi32>
      %add3A_1192 = arith.addi %get3A_1191, %get3A_1191 : vector<16xi32>
      %lt3A_1193 = arith.constant 507904 : i32
      %lt3A_1194 = vector.broadcast %lt3A_1193 : i32 to vector<16xi32>
      %lt3A_1195 = arith.cmpi slt, %get3A_1191, %lt3A_1194 : vector<16xi32>
      %sub3A_1196 = arith.constant 999423 : i32
      %sub3A_1197 = vector.broadcast %sub3A_1196 : i32 to vector<16xi32>
      %sub3A_1198 = arith.subi %add3A_1192, %sub3A_1197 : vector<16xi32>
      %select_n3A_1199 = arith.select %lt3A_1195, %add3A_1192, %sub3A_1198 : vector<16xi1>, vector<16xi32>
      %swap3A_1200 = arith.constant 7 : i32
      %swap3A_1201 = arith.index_cast %swap3A_1200 : i32 to index
      %swap3A_1202 = arith.constant 96 : index
      %swap3A_1203 = tpu.vector_load %arg5[%swap3A_1201, %swap3A_1202] {strides = array<i32>} : memref<8x128xi32, #tpu.memory_space<vmem>>, vector<1x16xi32>,
      %swap3A_1204 = vector.shape_cast %swap3A_1203 : vector<1x16xi32> to vector<16xi32>
      %swap3A_1205 = vector.shape_cast %select_n3A_1199 : vector<16xi32> to vector<1x16xi32>
      tpu.vector_store %arg5[%swap3A_1201, %swap3A_1202], %swap3A_1205 {strides = array<i32>} : memref<8x128xi32, #tpu.memory_space<vmem>>, vector<1x16xi32>,
      %get3A_1206 = arith.constant 7 : i32
      %get3A_1207 = arith.index_cast %get3A_1206 : i32 to index
      %get3A_1208 = arith.constant 112 : index
      %get3A_1209 = tpu.vector_load %arg5[%get3A_1207, %get3A_1208] {strides = array<i32>} : memref<8x128xi32, #tpu.memory_space<vmem>>, vector<1x16xi32>,
      %get3A_1210 = vector.shape_cast %get3A_1209 : vector<1x16xi32> to vector<16xi32>
      %add3A_1211 = arith.addi %get3A_1210, %get3A_1210 : vector<16xi32>
      %lt3A_1212 = arith.constant 507904 : i32
      %lt3A_1213 = vector.broadcast %lt3A_1212 : i32 to vector<16xi32>
      %lt3A_1214 = arith.cmpi slt, %get3A_1210, %lt3A_1213 : vector<16xi32>
      %sub3A_1215 = arith.constant 999423 : i32
      %sub3A_1216 = vector.broadcast %sub3A_1215 : i32 to vector<16xi32>
      %sub3A_1217 = arith.subi %add3A_1211, %sub3A_1216 : vector<16xi32>
      %select_n3A_1218 = arith.select %lt3A_1214, %add3A_1211, %sub3A_1217 : vector<16xi1>, vector<16xi32>
      %swap3A_1219 = arith.constant 7 : i32
      %swap3A_1220 = arith.index_cast %swap3A_1219 : i32 to index
      %swap3A_1221 = arith.constant 112 : index
      %swap3A_1222 = tpu.vector_load %arg5[%swap3A_1220, %swap3A_1221] {strides = array<i32>} : memref<8x128xi32, #tpu.memory_space<vmem>>, vector<1x16xi32>,
      %swap3A_1223 = vector.shape_cast %swap3A_1222 : vector<1x16xi32> to vector<16xi32>
      %swap3A_1224 = vector.shape_cast %select_n3A_1218 : vector<16xi32> to vector<1x16xi32>
      tpu.vector_store %arg5[%swap3A_1220, %swap3A_1221], %swap3A_1224 {strides = array<i32>} : memref<8x128xi32, #tpu.memory_space<vmem>>, vector<1x16xi32>,
      %dma_start3A = arith.constant 0 : i32
      %dma_start3A_1225 = arith.constant 0 : i32
      %dma_start3A_1226 = arith.constant 0 : i32
      %dma_start3A_1227 = tpu.memref_slice %arg6[%dma_start3A_1225, %dma_start3A_1226] : memref<1024x64xf32, #tpu.memory_space<vmem>> -> memref<128x64xf32, #tpu.memory_space<vmem>>
      %dma_start3A_1228 = arith.constant 0 : i32
      %dma_start3A_1229 = tpu.memref_slice %arg5[%dma_start3A, %dma_start3A_1228] : memref<8x128xi32, #tpu.memory_space<vmem>> -> memref<1x128xi32, #tpu.memory_space<vmem>>
      %dma_start3A_1230 = tpu.memref_squeeze %dma_start3A_1229 : memref<1x128xi32, #tpu.memory_space<vmem>> -> memref<128xi32, #tpu.memory_space<vmem>>
      %dma_start3A_1231 = arith.constant 0 : i32
      %dma_start3A_1232 = arith.constant 0 : i32
      %dma_start3A_1233 = tpu.memref_slice %arg3[%dma_start3A_1231, %dma_start3A_1232] : memref<1015808x64xf32, #tpu.memory_space<hbm>> -> memref<1015808x64xf32, #tpu.memory_space<hbm>>
      tpu.enqueue_indirect_dma source(%dma_start3A_1233 : memref<1015808x64xf32, #tpu.memory_space<hbm>>) target(%dma_start3A_1227 : memref<128x64xf32, #tpu.memory_space<vmem>>) offsets(%dma_start3A_1230 : memref<128xi32, #tpu.memory_space<vmem>>) semaphore(%arg7 : memref<!tpu.dma_semaphore, #tpu.memory_space<semaphore_mem>>)
      %dma_start3A_1234 = arith.constant 1 : i32
      %dma_start3A_1235 = arith.constant 128 : i32
      %dma_start3A_1236 = arith.constant 0 : i32
      %dma_start3A_1237 = tpu.memref_slice %arg6[%dma_start3A_1235, %dma_start3A_1236] : memref<1024x64xf32, #tpu.memory_space<vmem>> -> memref<128x64xf32, #tpu.memory_space<vmem>>
      %dma_start3A_1238 = arith.constant 0 : i32
      %dma_start3A_1239 = tpu.memref_slice %arg5[%dma_start3A_1234, %dma_start3A_1238] : memref<8x128xi32, #tpu.memory_space<vmem>> -> memref<1x128xi32, #tpu.memory_space<vmem>>
      %dma_start3A_1240 = tpu.memref_squeeze %dma_start3A_1239 : memref<1x128xi32, #tpu.memory_space<vmem>> -> memref<128xi32, #tpu.memory_space<vmem>>
      %dma_start3A_1241 = arith.constant 0 : i32
      %dma_start3A_1242 = arith.constant 0 : i32
      %dma_start3A_1243 = tpu.memref_slice %arg3[%dma_start3A_1241, %dma_start3A_1242] : memref<1015808x64xf32, #tpu.memory_space<hbm>> -> memref<1015808x64xf32, #tpu.memory_space<hbm>>
      tpu.enqueue_indirect_dma source(%dma_start3A_1243 : memref<1015808x64xf32, #tpu.memory_space<hbm>>) target(%dma_start3A_1237 : memref<128x64xf32, #tpu.memory_space<vmem>>) offsets(%dma_start3A_1240 : memref<128xi32, #tpu.memory_space<vmem>>) semaphore(%arg7 : memref<!tpu.dma_semaphore, #tpu.memory_space<semaphore_mem>>)
      %dma_start3A_1244 = arith.constant 2 : i32
      %dma_start3A_1245 = arith.constant 256 : i32
      %dma_start3A_1246 = arith.constant 0 : i32
      %dma_start3A_1247 = tpu.memref_slice %arg6[%dma_start3A_1245, %dma_start3A_1246] : memref<1024x64xf32, #tpu.memory_space<vmem>> -> memref<128x64xf32, #tpu.memory_space<vmem>>
      %dma_start3A_1248 = arith.constant 0 : i32
      %dma_start3A_1249 = tpu.memref_slice %arg5[%dma_start3A_1244, %dma_start3A_1248] : memref<8x128xi32, #tpu.memory_space<vmem>> -> memref<1x128xi32, #tpu.memory_space<vmem>>
      %dma_start3A_1250 = tpu.memref_squeeze %dma_start3A_1249 : memref<1x128xi32, #tpu.memory_space<vmem>> -> memref<128xi32, #tpu.memory_space<vmem>>
      %dma_start3A_1251 = arith.constant 0 : i32
      %dma_start3A_1252 = arith.constant 0 : i32
      %dma_start3A_1253 = tpu.memref_slice %arg3[%dma_start3A_1251, %dma_start3A_1252] : memref<1015808x64xf32, #tpu.memory_space<hbm>> -> memref<1015808x64xf32, #tpu.memory_space<hbm>>
      tpu.enqueue_indirect_dma source(%dma_start3A_1253 : memref<1015808x64xf32, #tpu.memory_space<hbm>>) target(%dma_start3A_1247 : memref<128x64xf32, #tpu.memory_space<vmem>>) offsets(%dma_start3A_1250 : memref<128xi32, #tpu.memory_space<vmem>>) semaphore(%arg7 : memref<!tpu.dma_semaphore, #tpu.memory_space<semaphore_mem>>)
      %dma_start3A_1254 = arith.constant 3 : i32
      %dma_start3A_1255 = arith.constant 384 : i32
      %dma_start3A_1256 = arith.constant 0 : i32
      %dma_start3A_1257 = tpu.memref_slice %arg6[%dma_start3A_1255, %dma_start3A_1256] : memref<1024x64xf32, #tpu.memory_space<vmem>> -> memref<128x64xf32, #tpu.memory_space<vmem>>
      %dma_start3A_1258 = arith.constant 0 : i32
      %dma_start3A_1259 = tpu.memref_slice %arg5[%dma_start3A_1254, %dma_start3A_1258] : memref<8x128xi32, #tpu.memory_space<vmem>> -> memref<1x128xi32, #tpu.memory_space<vmem>>
      %dma_start3A_1260 = tpu.memref_squeeze %dma_start3A_1259 : memref<1x128xi32, #tpu.memory_space<vmem>> -> memref<128xi32, #tpu.memory_space<vmem>>
      %dma_start3A_1261 = arith.constant 0 : i32
      %dma_start3A_1262 = arith.constant 0 : i32
      %dma_start3A_1263 = tpu.memref_slice %arg3[%dma_start3A_1261, %dma_start3A_1262] : memref<1015808x64xf32, #tpu.memory_space<hbm>> -> memref<1015808x64xf32, #tpu.memory_space<hbm>>
      tpu.enqueue_indirect_dma source(%dma_start3A_1263 : memref<1015808x64xf32, #tpu.memory_space<hbm>>) target(%dma_start3A_1257 : memref<128x64xf32, #tpu.memory_space<vmem>>) offsets(%dma_start3A_1260 : memref<128xi32, #tpu.memory_space<vmem>>) semaphore(%arg7 : memref<!tpu.dma_semaphore, #tpu.memory_space<semaphore_mem>>)
      %dma_start3A_1264 = arith.constant 4 : i32
      %dma_start3A_1265 = arith.constant 512 : i32
      %dma_start3A_1266 = arith.constant 0 : i32
      %dma_start3A_1267 = tpu.memref_slice %arg6[%dma_start3A_1265, %dma_start3A_1266] : memref<1024x64xf32, #tpu.memory_space<vmem>> -> memref<128x64xf32, #tpu.memory_space<vmem>>
      %dma_start3A_1268 = arith.constant 0 : i32
      %dma_start3A_1269 = tpu.memref_slice %arg5[%dma_start3A_1264, %dma_start3A_1268] : memref<8x128xi32, #tpu.memory_space<vmem>> -> memref<1x128xi32, #tpu.memory_space<vmem>>
      %dma_start3A_1270 = tpu.memref_squeeze %dma_start3A_1269 : memref<1x128xi32, #tpu.memory_space<vmem>> -> memref<128xi32, #tpu.memory_space<vmem>>
      %dma_start3A_1271 = arith.constant 0 : i32
      %dma_start3A_1272 = arith.constant 0 : i32
      %dma_start3A_1273 = tpu.memref_slice %arg3[%dma_start3A_1271, %dma_start3A_1272] : memref<1015808x64xf32, #tpu.memory_space<hbm>> -> memref<1015808x64xf32, #tpu.memory_space<hbm>>
      tpu.enqueue_indirect_dma source(%dma_start3A_1273 : memref<1015808x64xf32, #tpu.memory_space<hbm>>) target(%dma_start3A_1267 : memref<128x64xf32, #tpu.memory_space<vmem>>) offsets(%dma_start3A_1270 : memref<128xi32, #tpu.memory_space<vmem>>) semaphore(%arg7 : memref<!tpu.dma_semaphore, #tpu.memory_space<semaphore_mem>>)
      %dma_start3A_1274 = arith.constant 5 : i32
      %dma_start3A_1275 = arith.constant 640 : i32
      %dma_start3A_1276 = arith.constant 0 : i32
      %dma_start3A_1277 = tpu.memref_slice %arg6[%dma_start3A_1275, %dma_start3A_1276] : memref<1024x64xf32, #tpu.memory_space<vmem>> -> memref<128x64xf32, #tpu.memory_space<vmem>>
      %dma_start3A_1278 = arith.constant 0 : i32
      %dma_start3A_1279 = tpu.memref_slice %arg5[%dma_start3A_1274, %dma_start3A_1278] : memref<8x128xi32, #tpu.memory_space<vmem>> -> memref<1x128xi32, #tpu.memory_space<vmem>>
      %dma_start3A_1280 = tpu.memref_squeeze %dma_start3A_1279 : memref<1x128xi32, #tpu.memory_space<vmem>> -> memref<128xi32, #tpu.memory_space<vmem>>
      %dma_start3A_1281 = arith.constant 0 : i32
      %dma_start3A_1282 = arith.constant 0 : i32
      %dma_start3A_1283 = tpu.memref_slice %arg3[%dma_start3A_1281, %dma_start3A_1282] : memref<1015808x64xf32, #tpu.memory_space<hbm>> -> memref<1015808x64xf32, #tpu.memory_space<hbm>>
      tpu.enqueue_indirect_dma source(%dma_start3A_1283 : memref<1015808x64xf32, #tpu.memory_space<hbm>>) target(%dma_start3A_1277 : memref<128x64xf32, #tpu.memory_space<vmem>>) offsets(%dma_start3A_1280 : memref<128xi32, #tpu.memory_space<vmem>>) semaphore(%arg7 : memref<!tpu.dma_semaphore, #tpu.memory_space<semaphore_mem>>)
      %dma_start3A_1284 = arith.constant 6 : i32
      %dma_start3A_1285 = arith.constant 768 : i32
      %dma_start3A_1286 = arith.constant 0 : i32
      %dma_start3A_1287 = tpu.memref_slice %arg6[%dma_start3A_1285, %dma_start3A_1286] : memref<1024x64xf32, #tpu.memory_space<vmem>> -> memref<128x64xf32, #tpu.memory_space<vmem>>
      %dma_start3A_1288 = arith.constant 0 : i32
      %dma_start3A_1289 = tpu.memref_slice %arg5[%dma_start3A_1284, %dma_start3A_1288] : memref<8x128xi32, #tpu.memory_space<vmem>> -> memref<1x128xi32, #tpu.memory_space<vmem>>
      %dma_start3A_1290 = tpu.memref_squeeze %dma_start3A_1289 : memref<1x128xi32, #tpu.memory_space<vmem>> -> memref<128xi32, #tpu.memory_space<vmem>>
      %dma_start3A_1291 = arith.constant 0 : i32
      %dma_start3A_1292 = arith.constant 0 : i32
      %dma_start3A_1293 = tpu.memref_slice %arg3[%dma_start3A_1291, %dma_start3A_1292] : memref<1015808x64xf32, #tpu.memory_space<hbm>> -> memref<1015808x64xf32, #tpu.memory_space<hbm>>
      tpu.enqueue_indirect_dma source(%dma_start3A_1293 : memref<1015808x64xf32, #tpu.memory_space<hbm>>) target(%dma_start3A_1287 : memref<128x64xf32, #tpu.memory_space<vmem>>) offsets(%dma_start3A_1290 : memref<128xi32, #tpu.memory_space<vmem>>) semaphore(%arg7 : memref<!tpu.dma_semaphore, #tpu.memory_space<semaphore_mem>>)
      %dma_start3A_1294 = arith.constant 7 : i32
      %dma_start3A_1295 = arith.constant 896 : i32
      %dma_start3A_1296 = arith.constant 0 : i32
      %dma_start3A_1297 = tpu.memref_slice %arg6[%dma_start3A_1295, %dma_start3A_1296] : memref<1024x64xf32, #tpu.memory_space<vmem>> -> memref<128x64xf32, #tpu.memory_space<vmem>>
      %dma_start3A_1298 = arith.constant 0 : i32
      %dma_start3A_1299 = tpu.memref_slice %arg5[%dma_start3A_1294, %dma_start3A_1298] : memref<8x128xi32, #tpu.memory_space<vmem>> -> memref<1x128xi32, #tpu.memory_space<vmem>>
      %dma_start3A_1300 = tpu.memref_squeeze %dma_start3A_1299 : memref<1x128xi32, #tpu.memory_space<vmem>> -> memref<128xi32, #tpu.memory_space<vmem>>
      %dma_start3A_1301 = arith.constant 0 : i32
      %dma_start3A_1302 = arith.constant 0 : i32
      %dma_start3A_1303 = tpu.memref_slice %arg3[%dma_start3A_1301, %dma_start3A_1302] : memref<1015808x64xf32, #tpu.memory_space<hbm>> -> memref<1015808x64xf32, #tpu.memory_space<hbm>>
      tpu.enqueue_indirect_dma source(%dma_start3A_1303 : memref<1015808x64xf32, #tpu.memory_space<hbm>>) target(%dma_start3A_1297 : memref<128x64xf32, #tpu.memory_space<vmem>>) offsets(%dma_start3A_1300 : memref<128xi32, #tpu.memory_space<vmem>>) semaphore(%arg7 : memref<!tpu.dma_semaphore, #tpu.memory_space<semaphore_mem>>)
      %dma_wait3A = arith.constant 0 : i32
      %dma_wait3A_1304 = arith.constant 0 : i32
      %dma_wait3A_1305 = arith.constant 0 : i32
      %dma_wait3A_1306 = tpu.memref_slice %arg6[%dma_wait3A_1304, %dma_wait3A_1305] : memref<1024x64xf32, #tpu.memory_space<vmem>> -> memref<128x64xf32, #tpu.memory_space<vmem>>
      %dma_wait3A_1307 = arith.constant 0 : i32
      %dma_wait3A_1308 = tpu.memref_slice %arg5[%dma_wait3A, %dma_wait3A_1307] : memref<8x128xi32, #tpu.memory_space<vmem>> -> memref<1x128xi32, #tpu.memory_space<vmem>>
      %dma_wait3A_1309 = tpu.memref_squeeze %dma_wait3A_1308 : memref<1x128xi32, #tpu.memory_space<vmem>> -> memref<128xi32, #tpu.memory_space<vmem>>
      %dma_wait3A_1310 = arith.constant 0 : i32
      %dma_wait3A_1311 = arith.constant 0 : i32
      %dma_wait3A_1312 = tpu.memref_slice %arg3[%dma_wait3A_1310, %dma_wait3A_1311] : memref<1015808x64xf32, #tpu.memory_space<hbm>> -> memref<1015808x64xf32, #tpu.memory_space<hbm>>
      tpu.wait_indirect_dma semaphore(%arg7 : memref<!tpu.dma_semaphore, #tpu.memory_space<semaphore_mem>>) src(%dma_wait3A_1312 : memref<1015808x64xf32, #tpu.memory_space<hbm>>) dst(%dma_wait3A_1306 : memref<128x64xf32, #tpu.memory_space<vmem>>)
      %dma_wait3A_1313 = arith.constant 1 : i32
      %dma_wait3A_1314 = arith.constant 128 : i32
      %dma_wait3A_1315 = arith.constant 0 : i32
      %dma_wait3A_1316 = tpu.memref_slice %arg6[%dma_wait3A_1314, %dma_wait3A_1315] : memref<1024x64xf32, #tpu.memory_space<vmem>> -> memref<128x64xf32, #tpu.memory_space<vmem>>
      %dma_wait3A_1317 = arith.constant 0 : i32
      %dma_wait3A_1318 = tpu.memref_slice %arg5[%dma_wait3A_1313, %dma_wait3A_1317] : memref<8x128xi32, #tpu.memory_space<vmem>> -> memref<1x128xi32, #tpu.memory_space<vmem>>
      %dma_wait3A_1319 = tpu.memref_squeeze %dma_wait3A_1318 : memref<1x128xi32, #tpu.memory_space<vmem>> -> memref<128xi32, #tpu.memory_space<vmem>>
      %dma_wait3A_1320 = arith.constant 0 : i32
      %dma_wait3A_1321 = arith.constant 0 : i32
      %dma_wait3A_1322 = tpu.memref_slice %arg3[%dma_wait3A_1320, %dma_wait3A_1321] : memref<1015808x64xf32, #tpu.memory_space<hbm>> -> memref<1015808x64xf32, #tpu.memory_space<hbm>>
      tpu.wait_indirect_dma semaphore(%arg7 : memref<!tpu.dma_semaphore, #tpu.memory_space<semaphore_mem>>) src(%dma_wait3A_1322 : memref<1015808x64xf32, #tpu.memory_space<hbm>>) dst(%dma_wait3A_1316 : memref<128x64xf32, #tpu.memory_space<vmem>>)
      %dma_wait3A_1323 = arith.constant 2 : i32
      %dma_wait3A_1324 = arith.constant 256 : i32
      %dma_wait3A_1325 = arith.constant 0 : i32
      %dma_wait3A_1326 = tpu.memref_slice %arg6[%dma_wait3A_1324, %dma_wait3A_1325] : memref<1024x64xf32, #tpu.memory_space<vmem>> -> memref<128x64xf32, #tpu.memory_space<vmem>>
      %dma_wait3A_1327 = arith.constant 0 : i32
      %dma_wait3A_1328 = tpu.memref_slice %arg5[%dma_wait3A_1323, %dma_wait3A_1327] : memref<8x128xi32, #tpu.memory_space<vmem>> -> memref<1x128xi32, #tpu.memory_space<vmem>>
      %dma_wait3A_1329 = tpu.memref_squeeze %dma_wait3A_1328 : memref<1x128xi32, #tpu.memory_space<vmem>> -> memref<128xi32, #tpu.memory_space<vmem>>
      %dma_wait3A_1330 = arith.constant 0 : i32
      %dma_wait3A_1331 = arith.constant 0 : i32
      %dma_wait3A_1332 = tpu.memref_slice %arg3[%dma_wait3A_1330, %dma_wait3A_1331] : memref<1015808x64xf32, #tpu.memory_space<hbm>> -> memref<1015808x64xf32, #tpu.memory_space<hbm>>
      tpu.wait_indirect_dma semaphore(%arg7 : memref<!tpu.dma_semaphore, #tpu.memory_space<semaphore_mem>>) src(%dma_wait3A_1332 : memref<1015808x64xf32, #tpu.memory_space<hbm>>) dst(%dma_wait3A_1326 : memref<128x64xf32, #tpu.memory_space<vmem>>)
      %dma_wait3A_1333 = arith.constant 3 : i32
      %dma_wait3A_1334 = arith.constant 384 : i32
      %dma_wait3A_1335 = arith.constant 0 : i32
      %dma_wait3A_1336 = tpu.memref_slice %arg6[%dma_wait3A_1334, %dma_wait3A_1335] : memref<1024x64xf32, #tpu.memory_space<vmem>> -> memref<128x64xf32, #tpu.memory_space<vmem>>
      %dma_wait3A_1337 = arith.constant 0 : i32
      %dma_wait3A_1338 = tpu.memref_slice %arg5[%dma_wait3A_1333, %dma_wait3A_1337] : memref<8x128xi32, #tpu.memory_space<vmem>> -> memref<1x128xi32, #tpu.memory_space<vmem>>
      %dma_wait3A_1339 = tpu.memref_squeeze %dma_wait3A_1338 : memref<1x128xi32, #tpu.memory_space<vmem>> -> memref<128xi32, #tpu.memory_space<vmem>>
      %dma_wait3A_1340 = arith.constant 0 : i32
      %dma_wait3A_1341 = arith.constant 0 : i32
      %dma_wait3A_1342 = tpu.memref_slice %arg3[%dma_wait3A_1340, %dma_wait3A_1341] : memref<1015808x64xf32, #tpu.memory_space<hbm>> -> memref<1015808x64xf32, #tpu.memory_space<hbm>>
      tpu.wait_indirect_dma semaphore(%arg7 : memref<!tpu.dma_semaphore, #tpu.memory_space<semaphore_mem>>) src(%dma_wait3A_1342 : memref<1015808x64xf32, #tpu.memory_space<hbm>>) dst(%dma_wait3A_1336 : memref<128x64xf32, #tpu.memory_space<vmem>>)
      %dma_wait3A_1343 = arith.constant 4 : i32
      %dma_wait3A_1344 = arith.constant 512 : i32
      %dma_wait3A_1345 = arith.constant 0 : i32
      %dma_wait3A_1346 = tpu.memref_slice %arg6[%dma_wait3A_1344, %dma_wait3A_1345] : memref<1024x64xf32, #tpu.memory_space<vmem>> -> memref<128x64xf32, #tpu.memory_space<vmem>>
      %dma_wait3A_1347 = arith.constant 0 : i32
      %dma_wait3A_1348 = tpu.memref_slice %arg5[%dma_wait3A_1343, %dma_wait3A_1347] : memref<8x128xi32, #tpu.memory_space<vmem>> -> memref<1x128xi32, #tpu.memory_space<vmem>>
      %dma_wait3A_1349 = tpu.memref_squeeze %dma_wait3A_1348 : memref<1x128xi32, #tpu.memory_space<vmem>> -> memref<128xi32, #tpu.memory_space<vmem>>
      %dma_wait3A_1350 = arith.constant 0 : i32
      %dma_wait3A_1351 = arith.constant 0 : i32
      %dma_wait3A_1352 = tpu.memref_slice %arg3[%dma_wait3A_1350, %dma_wait3A_1351] : memref<1015808x64xf32, #tpu.memory_space<hbm>> -> memref<1015808x64xf32, #tpu.memory_space<hbm>>
      tpu.wait_indirect_dma semaphore(%arg7 : memref<!tpu.dma_semaphore, #tpu.memory_space<semaphore_mem>>) src(%dma_wait3A_1352 : memref<1015808x64xf32, #tpu.memory_space<hbm>>) dst(%dma_wait3A_1346 : memref<128x64xf32, #tpu.memory_space<vmem>>)
      %dma_wait3A_1353 = arith.constant 5 : i32
      %dma_wait3A_1354 = arith.constant 640 : i32
      %dma_wait3A_1355 = arith.constant 0 : i32
      %dma_wait3A_1356 = tpu.memref_slice %arg6[%dma_wait3A_1354, %dma_wait3A_1355] : memref<1024x64xf32, #tpu.memory_space<vmem>> -> memref<128x64xf32, #tpu.memory_space<vmem>>
      %dma_wait3A_1357 = arith.constant 0 : i32
      %dma_wait3A_1358 = tpu.memref_slice %arg5[%dma_wait3A_1353, %dma_wait3A_1357] : memref<8x128xi32, #tpu.memory_space<vmem>> -> memref<1x128xi32, #tpu.memory_space<vmem>>
      %dma_wait3A_1359 = tpu.memref_squeeze %dma_wait3A_1358 : memref<1x128xi32, #tpu.memory_space<vmem>> -> memref<128xi32, #tpu.memory_space<vmem>>
      %dma_wait3A_1360 = arith.constant 0 : i32
      %dma_wait3A_1361 = arith.constant 0 : i32
      %dma_wait3A_1362 = tpu.memref_slice %arg3[%dma_wait3A_1360, %dma_wait3A_1361] : memref<1015808x64xf32, #tpu.memory_space<hbm>> -> memref<1015808x64xf32, #tpu.memory_space<hbm>>
      tpu.wait_indirect_dma semaphore(%arg7 : memref<!tpu.dma_semaphore, #tpu.memory_space<semaphore_mem>>) src(%dma_wait3A_1362 : memref<1015808x64xf32, #tpu.memory_space<hbm>>) dst(%dma_wait3A_1356 : memref<128x64xf32, #tpu.memory_space<vmem>>)
      %dma_wait3A_1363 = arith.constant 6 : i32
      %dma_wait3A_1364 = arith.constant 768 : i32
      %dma_wait3A_1365 = arith.constant 0 : i32
      %dma_wait3A_1366 = tpu.memref_slice %arg6[%dma_wait3A_1364, %dma_wait3A_1365] : memref<1024x64xf32, #tpu.memory_space<vmem>> -> memref<128x64xf32, #tpu.memory_space<vmem>>
      %dma_wait3A_1367 = arith.constant 0 : i32
      %dma_wait3A_1368 = tpu.memref_slice %arg5[%dma_wait3A_1363, %dma_wait3A_1367] : memref<8x128xi32, #tpu.memory_space<vmem>> -> memref<1x128xi32, #tpu.memory_space<vmem>>
      %dma_wait3A_1369 = tpu.memref_squeeze %dma_wait3A_1368 : memref<1x128xi32, #tpu.memory_space<vmem>> -> memref<128xi32, #tpu.memory_space<vmem>>
      %dma_wait3A_1370 = arith.constant 0 : i32
      %dma_wait3A_1371 = arith.constant 0 : i32
      %dma_wait3A_1372 = tpu.memref_slice %arg3[%dma_wait3A_1370, %dma_wait3A_1371] : memref<1015808x64xf32, #tpu.memory_space<hbm>> -> memref<1015808x64xf32, #tpu.memory_space<hbm>>
      tpu.wait_indirect_dma semaphore(%arg7 : memref<!tpu.dma_semaphore, #tpu.memory_space<semaphore_mem>>) src(%dma_wait3A_1372 : memref<1015808x64xf32, #tpu.memory_space<hbm>>) dst(%dma_wait3A_1366 : memref<128x64xf32, #tpu.memory_space<vmem>>)
      %dma_wait3A_1373 = arith.constant 7 : i32
      %dma_wait3A_1374 = arith.constant 896 : i32
      %dma_wait3A_1375 = arith.constant 0 : i32
      %dma_wait3A_1376 = tpu.memref_slice %arg6[%dma_wait3A_1374, %dma_wait3A_1375] : memref<1024x64xf32, #tpu.memory_space<vmem>> -> memref<128x64xf32, #tpu.memory_space<vmem>>
      %dma_wait3A_1377 = arith.constant 0 : i32
      %dma_wait3A_1378 = tpu.memref_slice %arg5[%dma_wait3A_1373, %dma_wait3A_1377] : memref<8x128xi32, #tpu.memory_space<vmem>> -> memref<1x128xi32, #tpu.memory_space<vmem>>
      %dma_wait3A_1379 = tpu.memref_squeeze %dma_wait3A_1378 : memref<1x128xi32, #tpu.memory_space<vmem>> -> memref<128xi32, #tpu.memory_space<vmem>>
      %dma_wait3A_1380 = arith.constant 0 : i32
      %dma_wait3A_1381 = arith.constant 0 : i32
      %dma_wait3A_1382 = tpu.memref_slice %arg3[%dma_wait3A_1380, %dma_wait3A_1381] : memref<1015808x64xf32, #tpu.memory_space<hbm>> -> memref<1015808x64xf32, #tpu.memory_space<hbm>>
      tpu.wait_indirect_dma semaphore(%arg7 : memref<!tpu.dma_semaphore, #tpu.memory_space<semaphore_mem>>) src(%dma_wait3A_1382 : memref<1015808x64xf32, #tpu.memory_space<hbm>>) dst(%dma_wait3A_1376 : memref<128x64xf32, #tpu.memory_space<vmem>>)
      %mul3A_1383 = arith.constant 1024 : i32
      %mul3A_1384 = arith.muli %scan3A_10, %mul3A_1383 : i32
      %add3A_1385 = arith.addi %mul3A_4, %mul3A_1384 : i32
      "tpu.region"() ({
        %run_scoped3A = tpu.sem_alloc : memref<!tpu.dma_semaphore, #tpu.memory_space<semaphore_mem>>
        %dma_start3A_1386 = arith.constant 0 : i32
        %dma_start3A_1387 = tpu.memref_slice %arg4[%add3A_1385, %dma_start3A_1386] : memref<819200x64xf32, #tpu.memory_space<hbm>> -> memref<1024x64xf32, #tpu.memory_space<hbm>>
        %dma_start3A_1388 = arith.constant 0 : i32
        %dma_start3A_1389 = tpu.memref_slice %arg4[%add3A_1385, %dma_start3A_1388] : memref<819200x64xf32, #tpu.memory_space<hbm>> -> memref<1024x64xf32, #tpu.memory_space<hbm>>
        tpu.enqueue_dma source(%arg6 : memref<1024x64xf32, #tpu.memory_space<vmem>>) target(%dma_start3A_1389 : memref<1024x64xf32, #tpu.memory_space<hbm>>) target_semaphore(%run_scoped3A : memref<!tpu.dma_semaphore, #tpu.memory_space<semaphore_mem>>)
        %dma_wait3A_1390 = arith.constant 0 : i32
        %dma_wait3A_1391 = tpu.memref_slice %arg4[%add3A_1385, %dma_wait3A_1390] : memref<819200x64xf32, #tpu.memory_space<hbm>> -> memref<1024x64xf32, #tpu.memory_space<hbm>>
        %dma_wait3A_1392 = arith.constant 0 : i32
        %dma_wait3A_1393 = tpu.memref_slice %arg4[%add3A_1385, %dma_wait3A_1392] : memref<819200x64xf32, #tpu.memory_space<hbm>> -> memref<1024x64xf32, #tpu.memory_space<hbm>>
        tpu.wait_dma2 semaphore(%run_scoped3A : memref<!tpu.dma_semaphore, #tpu.memory_space<semaphore_mem>>) src(%arg6 : memref<1024x64xf32, #tpu.memory_space<vmem>>) dst(%dma_wait3A_1393 : memref<1024x64xf32, #tpu.memory_space<hbm>>)
        tpu.yield
      }) : () -> ()
    }
    %scan3A_9 = arith.constant 25 : i32
    return
  }
}

</mosaic_0001>

<sc_bundles>
// kernel: _gather_call.3.cloned.1.call-start
scs
__scs_entry_jumppad:
0x0: {  	(pc) =	sbr.rel $0x88, $3  }
0x1: {  	(tag) =	ssettag $0x0;
	lr =	simm.s32 $0x1  }
0x2: {  	[smem:$0x3F9F] =	sst lr;
	_ =	strace $0xD0000000  }
0x3: {  	_ = 	snop  }
0x4: {  	_ = 	snop  }
0x5: {  	_ = 	snop  }
0x6: {  	_ = 	snop  }
0x7: {  	_ = 	snop  }
__scs_overlays_trampoline_lowered:
0x8: {  	[smem:$0x3FAE] =	sst s0  }
0x9: {  	[smem:$0x3FAF] =	sst s1  }
0xa: {  	[smem:$0x3FB0] =	sst s2  }
0xb: {  	[smem:$0x3FB1] =	sst s3  }
0xc: {  	[smem:$0x3FB2] =	sst s4  }
0xd: {  	[smem:$0x3FB3] =	sst s5  }
0xe: {  	[smem:$0x3FB4] =	sst s6  }
0xf: {  	[smem:$0x3FB5] =	sst s7  }
0x10: {  	[smem:$0x3FB6] =	sst s8  }
0x11: {  	[smem:$0x3FB7] =	sst s9;
	s0 =	simm.s32 @!p0 $0x0  }
0x12: {  	s1 =	sld [smem:$0x3F9D];
	s0 =	simm.s32 @p0 $0x1  }
0x13: {  	[smem:$0x3FB8] =	sst s0;
	s0 =	simm.s32 @!p1 $0x0  }
0x14: {  	s2 =	sld [smem:$0x3F9C];
	s0 =	simm.s32 @p1 $0x1  }
0x15: {  	[smem:$0x3FB9] =	sst s0;
	s0 =	simm.s32 @!p2 $0x0  }
0x16: {  	s3 =	sld [smem:$0x3FDB];
	s0 =	simm.s32 @p2 $0x1  }
0x17: {  	s4 =	simm.s32 $0x1BF5;
	[smem:$0x3FBB] =	sst s0  }
0x18: {  	s0 =	sld [smem:$0x3F9E];
	_ =	swait.ge [sflag:s4], $0x0  }
0x19: {  	s7 =	sld [smem:$0x3F9F]  }
0x1a: {  	s8 =	sadd.s32 $0xFFFFE003, lr  }
0x1b: {  	s9 =	sadd.s32 $0xFFFFFEF7, lr;
	s5 =	simm.s32 $0xFFFFFFFF;
	p2 =	slt.u32 s8, $0xFFFFF086  }
0x1c: {  	p1 =	slt.u32 s9, $0xF7A;
	s5 =	simm.s32 @!p2 $0x0  }
0x1d: {  	s5 =	simm.s32 @p1 $0x1;
	p0 =	seq.s32 s7, s2  }
0x1e: {  	s7 =	smul.u32 @!p0 $0xF7A, s2;
	p2 =	seq.s32 @!p0 s5, $0x0  }
0x1f: {  	s9 =	smul.u32 $0xF7A, s1;
	s8 =	simm.s32 @!p0 $0x1BF5;
	p2 =	por !p2, p0  }
0x20: {  	[sflag:s8] =	ssyncset.s32 @!p0 $0xFFFFF086;
	s6 =	sadd.s32 @!p0 s3, s7;
	s7 =	simm.s32 @!p0 $0x108  }
0x21: {  	s3 =	sadd.s32 s3, s9;
	s6 =	sadd.s32 @!p0 $0x88, s6;
	s7 =	simm.s32 @p2 $0x1082  }
0x22: {  	[simem:s7], [sflag:s8] =	dma.local @!p0 [hbm:s6], $0xF7A  }
0x23: {  	s9 =	sor.u32 $0xD0000000, s2;
	s6 =	simm.s32 $0x108;
	_ =	swait.ge @!p0 [sflag:s8], $0x0  }
0x24: {  	s3 =	sadd.s32 $0x88, s3;
	s6 =	simm.s32 @!p1 $0x1082;
	[sflag:s4] =	ssyncset.s32 $0xFFFFF086  }
0x25: {  	[simem:s6], [sflag:s4] =	dma.local [hbm:s3], $0xF7A  }
0x26: {  	[smem:$0x3F9F] =	sst s1;
	(tag) =	ssettag s2;
	_ =	strace s9  }
0x27: {  	s1 =	sld [smem:$0x3FAF]  }
0x28: {  	s2 =	sld [smem:$0x3FB0]  }
0x29: {  	s4 =	sld [smem:$0x3FB2]  }
0x2a: {  	p0 =	seq.s32 s5, $0x0;
	s5 =	sld [smem:$0x3FB3]  }
0x2b: {  	s6 =	sld [smem:$0x3FB4]  }
0x2c: {  	s7 =	sld [smem:$0x3FB5]  }
0x2d: {  	s3 =	simm.s32 $0x108;
	s8 =	sld [smem:$0x3FB6]  }
0x2e: {  	s3 =	simm.s32 @!p0 $0x1082;
	s9 =	sld [smem:$0x3FB7]  }
0x2f: {  	lr =	sadd.s32 s0, s3;
	s0 =	sld [smem:$0x3FAE]  }
0x30: {  	s3 =	sld [smem:$0x3FB1]  }
0x31: {  	[smem:$0x3FBA] =	sst s10  }
0x32: {  	s10 =	sld [smem:$0x3FB8];
	_ =	sdelay $0x3  }
0x33: {  	p0 =	seq.s32 s10, $0x1;
	s10 =	sld [smem:$0x3FBA];
	_ =	sdelay $0x3  }
0x34: {  	[smem:$0x3FBA] =	sst s10  }
0x35: {  	s10 =	sld [smem:$0x3FB9];
	_ =	sdelay $0x3  }
0x36: {  	p1 =	seq.s32 s10, $0x1;
	s10 =	sld [smem:$0x3FBA];
	_ =	sdelay $0x3  }
0x37: {  	[smem:$0x3FBA] =	sst s10  }
0x38: {  	s10 =	sld [smem:$0x3FBB]  }
0x39: {  	_ = 	snop;
	(pc) =	sbr.ind lr, $3  }
0x3a: {  	_ = 	snop  }
0x3b: {  	_ = 	snop  }
0x3c: {  	p2 =	seq.s32 s10, $0x1;
	s10 =	sld [smem:$0x3FBA]  }
0x3d: {  	_ =	shalt  }
0x3e: {  	_ =	shalt  }
0x3f: {  	_ =	shalt  }
0x40: {  	_ =	shalt  }
0x41: {  	_ =	shalt  }
0x42: {  	_ =	shalt  }
0x43: {  	_ =	shalt  }
0x44: {  	_ =	shalt  }
0x45: {  	_ =	shalt  }
0x46: {  	_ =	shalt  }
0x47: {  	_ =	shalt  }
0x48: {  	_ =	shalt  }
0x49: {  	_ =	shalt  }
0x4a: {  	_ =	shalt  }
0x4b: {  	_ =	shalt  }
0x4c: {  	_ =	shalt  }
0x4d: {  	_ =	shalt  }
0x4e: {  	_ =	shalt  }
0x4f: {  	_ =	shalt  }
0x50: {  	_ =	shalt  }
0x51: {  	_ =	shalt  }
0x52: {  	_ =	shalt  }
0x53: {  	_ =	shalt  }
0x54: {  	_ =	shalt  }
0x55: {  	_ =	shalt  }
0x56: {  	_ =	shalt  }
0x57: {  	_ =	shalt  }
0x58: {  	_ =	shalt  }
0x59: {  	_ =	shalt  }
0x5a: {  	_ =	shalt  }
0x5b: {  	_ =	shalt  }
0x5c: {  	_ =	shalt  }
0x5d: {  	_ =	shalt  }
0x5e: {  	_ =	shalt  }
0x5f: {  	_ =	shalt  }
0x60: {  	_ =	shalt  }
0x61: {  	_ =	shalt  }
0x62: {  	_ =	shalt  }
0x63: {  	_ =	shalt  }
0x64: {  	_ =	shalt  }
0x65: {  	_ =	shalt  }
0x66: {  	_ =	shalt  }
0x67: {  	_ =	shalt  }
0x68: {  	_ =	shalt  }
0x69: {  	_ =	shalt  }
0x6a: {  	_ =	shalt  }
0x6b: {  	_ =	shalt  }
0x6c: {  	_ =	shalt  }
0x6d: {  	_ =	shalt  }
0x6e: {  	_ =	shalt  }
0x6f: {  	_ =	shalt  }
0x70: {  	_ =	shalt  }
0x71: {  	_ =	shalt  }
0x72: {  	_ =	shalt  }
0x73: {  	_ =	shalt  }
0x74: {  	_ =	shalt  }
0x75: {  	_ =	shalt  }
0x76: {  	_ =	shalt  }
0x77: {  	_ =	shalt  }
0x78: {  	_ =	shalt  }
0x79: {  	_ =	shalt  }
0x7a: {  	_ =	shalt  }
0x7b: {  	_ =	shalt  }
0x7c: {  	_ =	shalt  }
0x7d: {  	_ =	shalt  }
0x7e: {  	_ =	shalt  }
0x7f: {  	_ =	shalt  }
0x80: {  	_ =	shalt  }
0x81: {  	_ =	shalt  }
0x82: {  	_ =	shalt  }
0x83: {  	_ =	shalt  }
0x84: {  	_ =	shalt  }
0x85: {  	_ =	shalt  }
0x86: {  	_ =	shalt  }
0x87: {  	_ =	shalt  }
.Lfunc_end0:
.L_simem_size_0:
called_computation.1_lowered:
.L_overlay_start_0:
0x88: {  	s2 =	sld [smem:$0x3FD9]  }
0x89: {  	s3 =	sld [smem:$0x3FFE];
	_ =	sdelay $0x1  }
0x8a: {  	s1 =	srdreg.scid  }
0x8b: {  	s0 =	sand.u32 $0x1, s1  }
0x8c: {  	s17 =	sshll.u32 s0, $0xA;
	s2 =	sadd.s32 s3, s2  }
0x8d: {  	s2 =	sadd.s32 s2, s17  }
0x8e: {  	[smem:$0x3FC6] =	sst s2  }
0x8f: {  	_ = 	snop  }
0x90: {  	s2 =	sld [smem:$0x3FC9]  }
0x91: {  	s18 =	sld [smem:$0x3FD0];
	(tm) =	ssettm $0x1  }
0x92: {  	s4 =	sld [smem:$0x3FFB];
	_ =	sdelay $0x3  }
0x93: {  	_ =	strace s4  }
0x94: {  	s4 =	sld [smem:$0x3FFC];
	_ =	sdelay $0x3  }
0x95: {  	_ =	strace s4  }
0x96: {  	s4 =	sld [smem:$0x3FFD];
	_ =	sdelay $0x3  }
0x97: {  	_ =	strace s4  }
0x98: {  	_ =	strace $0x8FFFFFFF  }
0x99: {  	s19 =	sld [smem:$0x3FDB];
	_ =	sdelay $0x1  }
0x9a: {  	s5 =	simm.s32 $_scs_section_size  }
0x9b: {  	s6 =	simm.s32 $_size__tile_overlayer_lowered;
	s7 =	simm.s32 $_tile_overlayer_lowered  }
0x9c: {  	s22 =	simm.s32 $0x1BFF;
	s21 =	sshll.u32 s7, $0x1;
	s4 =	sadd.s32 s5, s19  }
0x9d: {  	s8 =	simm.s32 $0x0;
	s20 =	sshll.u32 s6, $0x1;
	s6 =	sadd.s32 s21, s4  }
0x9e: {  	[timem:s8], [sflag:s22] =	dma.local [hbm:s6], s20  }
0x9f: {  	_ =	swait.ge [sflag:s22], s20  }
0xa0: {  	s5 =	ssub.s32 $0x0, s20;
	[sflag:s22] =	ssyncset.done $0x0  }
0xa1: {  	[sflag:s22] =	ssyncadd.s32 s5;
	_ =	sdelay $0x1  }
0xa2: {  	s23 =	simm.s32 $0x1B8B  }
0xa3: {  	_ =	swait.ge [sflag:s23], $0x1  }
0xa4: {  	[sflag:s23] =	ssyncset.done $0x0  }
0xa5: {  	s25 =	simm.s32 $0x1B8E;
	s24 =	sld [smem:$0x3FFE];
	[sflag:s23] =	ssyncadd.s32 $0xFFFFFFFF  }
0xa6: {  	s26 =	simm.s32 $execute0_lowered;
	[smem:$0x3FD2] =	sst s25  }
0xa7: {  	s6 =	sshll.u32 s26, $0x1;
	_ =	strace $0x80000046;
	[dreg:$0x1] =	wrdreg $0xFFFFFFFF  }
0xa8: {  	s28 =	simm.s32 $_size_execute0_lowered;
	s4 =	sadd.s32 s4, s6;
	[dreg:$0x0] =	wrdreg $0x0  }
0xa9: {  	s6 =	sshll.u32 s28, $0x1;
	[dreg:$0x2] =	wrdreg s4  }
0xaa: {  	[dreg:$0x3] =	wrdreg s6  }
0xab: {  	[dreg:$0x4] =	wrdreg $0xC0  }
0xac: {  	_ =	task [dreg:s8], $0x5FFFF  }
0xad: {  	[dreg:$0x1] =	wrdreg $0xFFFFFFFF  }
0xae: {  	[dreg:$0x0] =	wrdreg $0x60  }
0xaf: {  	[dreg:$0x2] =	wrdreg s2  }
0xb0: {  	[dreg:$0x3] =	wrdreg s24  }
0xb1: {  	[dreg:$0x4] =	wrdreg s18  }
0xb2: {  	[dreg:$0x5] =	wrdreg $0x9  }
0xb3: {  	_ =	task.clear_ibuf [dreg:s8], $0x6FFFF;
	_ =	strace $0x90000046  }
0xb4: {  	s29 =	simm.s32 $0x9;
	_ =	strace $0x80000048  }
0xb5: {  	_ =	swait.ge [sflag:s29], $0x1  }
0xb6: {  	[sflag:s29] =	ssyncadd.s32 $0xFFFFFFFF  }
0xb7: {  	_ =	strace $0x90000048  }
0xb8: {  	_ =	sfence  }
0xb9: {  	s30 =	sld [smem:$0x0];
	_ =	sdelay $0x2  }
0xba: {  	s31 =	sshll.u32 s1, $0xD;
	s1 =	sshrl.u32 s1, $0x2  }
0xbb: {  	s3 =	sand.u32 $0x4000, s31;
	s1 =	sadd.s32 s1, s30  }
0xbc: {  	s0 =	sor.u32 s3, s0;
	s1 =	sshll.u32 s1, $0x11  }
0xbd: {  	s0 =	sor.u32 s1, s0  }
0xbe: {  	s0 =	sadd.s32 $0x8F2B, s0  }
0xbf: {  	[sflag:s0] =	ssyncadd.remote.s32 $0x1  }
0xc0: {  	_ =	sfence.sel $0xFFFF  }
0xc1: {  	[dreg:$0x0] =	wrdreg $0xFFFFFFFF;
	(pc) =	sbr.abs _section_cstart, $3  }
0xc2: {  	[dreg:$0x1] =	wrdreg $0xFFFFFFFF  }
0xc3: {  	_ =	task.clear_ibuf [dreg:s8], $0x2FFFF;
	_ =	strace $0x9FFFFFFF  }
0xc4: {  	(tm) =	ssettm $0x7FFFFFFF  }
0xc5: {  	_ =	shalt  }
tec
execute0_lowered:
.L_overlay_start_1:
0x0: {  	(tag) =	ssettag $0x1  }
0x1: {  	s6 =	rddreg [dreg:$0x0];
	s1 =	srdreg.scid  }
0x2: {  	s0 =	stileid.u32;
	s3 =	rddreg [dreg:$0x1]  }
0x3: {  	s7 =	rddreg [dreg:$0x2];
	s2 =	simm.s32 $0x0;
	s12 =	simm.s32 $0x4400  }
0x4: {  	s13 =	simm.s32 $0x180;
	s14 =	simm.s32 $0x6400;
	s15 =	simm.s32 $0x200  }
0x5: {  	s16 =	simm.s32 $0x8400;
	s17 =	simm.s32 $0x280;
	s18 =	simm.s32 $0xA400  }
0x6: {  	s19 =	simm.s32 $0x300;
	s20 =	simm.s32 $0xC400;
	s21 =	simm.s32 $0x380  }
0x7: {  	s22 =	simm.s32 $0xE400;
	s23 =	simm.s32 $0x1;
	s5 =	smul.u32 $0x320000, s0  }
0x8: {  	s4 =	sand.u32 $0x1, s1;
	s1 =	rddreg [dreg:$0x3];
	s9 =	smul.u32 $0xC800, s0  }
0x9: {  	s24 =	simm.s32 $0x0;
	[smem:$0x7FF] =	sst s2;
	s8 =	smul.u32 $0x190000, s4  }
0xa: {  	s3 =	sadd.s32 $0xF80800, s3;
	s10 =	smul.u32 $0x6400, s4;
	s4 =	ssub.s32 $0x2, s4  }
0xb: {  	_ =	strace $0x80000047;
	s11 =	sshrl.u32 s4, $0x1;
	s5 =	sadd.s32 s8, s5  }
0xc: {  	s31 =	sadd.s32 s10, s9;
	s4 =	ssub.s32 s4, s11;
	s9 =	simm.s32 $0x400  }
0xd: {  	s10 =	simm.s32 $0x2400;
	s11 =	simm.s32 $0x100;
	s5 =	sshrl.u32 s5, $0x3  }
0xe: {  	s8 =	sshrl.u32 s31, $0x3;
	s4 =	smax.u32 s4, $0x1;
	s5 =	sadd.s32 s5, s7  }
0xf: {  	s6 =	sadd.s32 s8, s6;
	s7 =	simm.s32 $0x2;
	s8 =	simm.s32 $0x80  }
.LBB2_1:
0x10: {  	s25 =	simm.s32 $0x0;
	s26 =	smov.u32 s5  }
.LBB2_2:
0x11: {  	s28 =	sadd.s32 s25, s6  }
0x12: {  	[tilespmem:s2], [sflag:$0x2] =	stream.linear.gather [hbm4b:s28+s2], $0x400, $0x38;
	[tilespmem:$0x10400] =	vst v63  }
0x13: {  	_ =	swait.ge [sflag:s7], $0x400  }
0x14: {  	[sflag:s7] =	ssyncset.done $0x0  }
0x15: {  	[sflag:s7] =	ssyncadd.s32 $0xFFFFFC00  }
0x16: {  	v0 =	vld [tilespmem:$0x0]  }
0x17: {  	v1 =	vld [tilespmem:$0x10]  }
0x18: {  	v2 =	vld [tilespmem:$0x20]  }
0x19: {  	v3 =	vld [tilespmem:$0x30]  }
0x1a: {  	v4 =	vld [tilespmem:$0x40]  }
0x1b: {  	v6 =	vld [tilespmem:$0x50]  }
0x1c: {  	v61 =	vld [tilespmem:$0x60]  }
0x1d: {  	v9 =	vld [tilespmem:$0x70]  }
0x1e: {  	v10 =	vld [tilespmem:$0x80]  }
0x1f: {  	v12 =	vld [tilespmem:$0x90]  }
0x20: {  	v19 =	vld [tilespmem:$0xA0]  }
0x21: {  	v22 =	vld [tilespmem:$0xB0]  }
0x22: {  	v25 =	vld [tilespmem:$0xC0]  }
0x23: {  	v15 =	vld [tilespmem:$0xD0];
	v5 =	vshll.u32 v0, $0x1;
	vm0 =	vlt.s32 v0, $0x7C000;
	v58 =	vshll.u32 v1, $0x1  }
0x24: {  	v31 =	vld [tilespmem:$0x100];
	vm1 =	vlt.s32 v1, $0x7C000;
	v60 =	vshll.u32 v2, $0x1;
	vm15 =	vlt.s32 v2, $0x7C000  }
0x25: {  	v34 =	vld [tilespmem:$0x110];
	v8 =	vshll.u32 v3, $0x1;
	vm4 =	vlt.s32 v3, $0x7C000;
	v16 =	vshll.u32 v4, $0x1  }
0x26: {  	v37 =	vld [tilespmem:$0x120];
	vm5 =	vlt.s32 v4, $0x7C000;
	v17 =	vshll.u32 v6, $0x1;
	vm2 =	vlt.s32 v6, $0x7C000  }
0x27: {  	v44 =	vld [tilespmem:$0x160];
	v20 =	vshll.u32 v61, $0x1;
	vm6 =	vlt.s32 v61, $0x7C000;
	v21 =	vshll.u32 v9, $0x1  }
0x28: {  	v52 =	vld [tilespmem:$0x180];
	vm7 =	vlt.s32 v9, $0x7C000;
	v24 =	vshll.u32 v10, $0x1;
	vm8 =	vlt.s32 v10, $0x7C000  }
0x29: {  	v14 =	vshll.u32 v12, $0x1;
	vm9 =	vlt.s32 v12, $0x7C000;
	v28 =	vshll.u32 v19, $0x1  }
0x2a: {  	vm10 =	vlt.s32 v19, $0x7C000;
	v29 =	vshll.u32 v22, $0x1;
	vm11 =	vlt.s32 v22, $0x7C000  }
0x2b: {  	v32 =	vshll.u32 v25, $0x1;
	vm12 =	vlt.s32 v25, $0x7C000;
	v33 =	vshll.u32 v15, $0x1  }
0x2c: {  	vm13 =	vlt.s32 v15, $0x7C000;
	v40 =	vshll.u32 v31, $0x1;
	v41 =	vshll.u32 v34, $0x1  }
0x2d: {  	v45 =	vshll.u32 v37, $0x1;
	v57 =	vshll.u32 v44, $0x1;
	v25 =	vshll.u32 v52, $0x1  }
0x2e: {  	v7 =	vadd.s32 $0xFFF0C001, v5;
	v59 =	vadd.s32 $0xFFF0C001, v58;
	v62 =	vadd.s32 $0xFFF0C001, v60  }
0x2f: {  	v63 =	vadd.s32 $0xFFF0C001, v8;
	v11 =	vadd.s32 $0xFFF0C001, v16;
	v18 =	vadd.s32 $0xFFF0C001, v17  }
0x30: {  	v13 =	vadd.s32 $0xFFF0C001, v20;
	v23 =	vadd.s32 $0xFFF0C001, v21;
	v26 =	vadd.s32 $0xFFF0C001, v24  }
0x31: {  	v27 =	vadd.s32 $0xFFF0C001, v14;
	v30 =	vadd.s32 $0xFFF0C001, v29;
	v19 =	vadd.s32 $0xFFF0C001, v32  }
0x32: {  	v35 =	vadd.s32 $0xFFF0C001, v33;
	v42 =	vadd.s32 $0xFFF0C001, v41;
	v48 =	vadd.s32 $0xFFF0C001, v45  }
0x33: {  	v5 =	vsel vm0, v5, v7;
	v0 =	vsel vm1, v58, v59;
	v1 =	vsel vm15, v60, v62  }
0x34: {  	v47 =	vld [tilespmem:$0x170];
	v2 =	vsel vm4, v8, v63;
	v3 =	vsel vm5, v16, v11;
	v4 =	vsel vm2, v17, v18  }
0x35: {  	v55 =	vld [tilespmem:$0x190];
	v8 =	vsel vm6, v20, v13;
	v7 =	vsel vm7, v21, v23;
	v9 =	vsel vm8, v24, v26  }
0x36: {  	v22 =	vld [tilespmem:$0x140];
	v17 =	vadd.s32 $0xFFF0C001, v28;
	v10 =	vsel vm9, v14, v27;
	v6 =	vsel vm11, v29, v30  }
0x37: {  	v16 =	vld [tilespmem:$0xE0];
	v14 =	vsel vm12, v32, v19;
	v13 =	vsel vm13, v33, v35;
	vm4 =	vlt.s32 v31, $0x7C000  }
0x38: {  	v18 =	vld [tilespmem:$0xF0];
	v23 =	vadd.s32 $0xFFF0C001, v40;
	vm5 =	vlt.s32 v34, $0x7C000;
	vm6 =	vlt.s32 v37, $0x7C000  }
0x39: {  	v21 =	vld [tilespmem:$0x130];
	v58 =	vshll.u32 v47, $0x1;
	v60 =	vadd.s32 $0xFFF0C001, v57;
	vm11 =	vlt.s32 v47, $0x7C000  }
0x3a: {  	v24 =	vld [tilespmem:$0x150];
	vm12 =	vlt.s32 v52, $0x7C000;
	v26 =	vshll.u32 v55, $0x1;
	vm13 =	vlt.s32 v55, $0x7C000;
	[tilespmem:$0x0] =	vst v5  }
0x3b: {  	v59 =	vld [tilespmem:$0x1A0];
	v12 =	vsel vm10, v28, v17;
	v11 =	vsel vm5, v41, v42;
	[tilespmem:$0x10] =	vst v0;
	v0 =	vsel vm6, v45, v48  }
0x3c: {  	v62 =	vld [tilespmem:$0x1B0];
	[tilespmem:$0x20] =	vst v1;
	vm10 =	vlt.s32 v44, $0x7C000;
	v61 =	vadd.s32 $0xFFF0C001, v58;
	v28 =	vadd.s32 $0xFFF0C001, v25  }
0x3d: {  	v27 =	vld [tilespmem:$0x1D0];
	[tilespmem:$0x50] =	vst v4;
	v29 =	vadd.s32 $0xFFF0C001, v26;
	v4 =	vsel vm10, v57, v60;
	v63 =	vsel vm11, v58, v61  }
0x3e: {  	v33 =	vld [tilespmem:$0x1E0];
	[tilespmem:$0x30] =	vst v2;
	v30 =	vsel vm12, v25, v28;
	v31 =	vsel vm13, v26, v29;
	v51 =	vshll.u32 v22, $0x1  }
0x3f: {  	v47 =	vld [tilespmem:$0x230];
	[tilespmem:$0x40] =	vst v3;
	vm8 =	vlt.s32 v22, $0x7C000;
	v53 =	vadd.s32 $0xFFF0C001, v51;
	v36 =	vshll.u32 v16, $0x1  }
0x40: {  	v52 =	vld [tilespmem:$0x240];
	[tilespmem:$0x60] =	vst v8;
	vm14 =	vlt.s32 v16, $0x7C000;
	v20 =	vshll.u32 v18, $0x1;
	vm15 =	vlt.s32 v18, $0x7C000  }
0x41: {  	v55 =	vld [tilespmem:$0x250];
	[tilespmem:$0x70] =	vst v7;
	v16 =	vsel vm4, v40, v23;
	v46 =	vshll.u32 v21, $0x1;
	vm7 =	vlt.s32 v21, $0x7C000  }
0x42: {  	[tilespmem:$0x80] =	vst v9;
	v54 =	vshll.u32 v24, $0x1;
	v2 =	vsel vm8, v51, v53;
	vm9 =	vlt.s32 v24, $0x7C000  }
0x43: {  	[tilespmem:$0x90] =	vst v10;
	v32 =	vshll.u32 v59, $0x1;
	v35 =	vshll.u32 v62, $0x1;
	vm5 =	vlt.s32 v27, $0x7C000  }
0x44: {  	[tilespmem:$0xB0] =	vst v6;
	v44 =	vld [tilespmem:$0x220];
	v45 =	vshll.u32 v33, $0x1;
	vm6 =	vlt.s32 v33, $0x7C000;
	v58 =	vshll.u32 v47, $0x1  }
0x45: {  	[tilespmem:$0xC0] =	vst v14;
	vm11 =	vlt.s32 v47, $0x7C000;
	v21 =	vshll.u32 v52, $0x1;
	vm12 =	vlt.s32 v52, $0x7C000  }
0x46: {  	[tilespmem:$0xD0] =	vst v13;
	v22 =	vshll.u32 v55, $0x1;
	vm13 =	vlt.s32 v55, $0x7C000;
	v38 =	vadd.s32 $0xFFF0C001, v36  }
0x47: {  	[tilespmem:$0xA0] =	vst v12;
	v39 =	vadd.s32 $0xFFF0C001, v20;
	v49 =	vadd.s32 $0xFFF0C001, v46;
	v56 =	vadd.s32 $0xFFF0C001, v54  }
0x48: {  	[tilespmem:$0x110] =	vst v11;
	v34 =	vadd.s32 $0xFFF0C001, v32;
	v37 =	vadd.s32 $0xFFF0C001, v35;
	v48 =	vadd.s32 $0xFFF0C001, v45  }
0x49: {  	[tilespmem:$0x120] =	vst v0;
	v28 =	vld [tilespmem:$0x2A0];
	v57 =	vshll.u32 v44, $0x1;
	vm10 =	vlt.s32 v44, $0x7C000;
	v61 =	vadd.s32 $0xFFF0C001, v58  }
0x4a: {  	[tilespmem:$0x160] =	vst v4;
	v25 =	vadd.s32 $0xFFF0C001, v22;
	v15 =	vsel vm14, v36, v38;
	v43 =	vsel vm15, v20, v39  }
0x4b: {  	[tilespmem:$0x170] =	vst v63;
	v24 =	vld [tilespmem:$0x1C0];
	v50 =	vsel vm7, v46, v49;
	v3 =	vsel vm9, v54, v56;
	vm14 =	vlt.s32 v59, $0x7C000  }
0x4c: {  	[tilespmem:$0x180] =	vst v30;
	v40 =	vld [tilespmem:$0x200];
	vm15 =	vlt.s32 v62, $0x7C000;
	v39 =	vshll.u32 v27, $0x1;
	v0 =	vsel vm6, v45, v48  }
0x4d: {  	[tilespmem:$0x190] =	vst v31;
	v23 =	vld [tilespmem:$0x290];
	v60 =	vadd.s32 $0xFFF0C001, v57;
	v63 =	vsel vm11, v58, v61;
	v26 =	vsel vm13, v22, v25  }
0x4e: {  	v52 =	vld [tilespmem:$0x310];
	[tilespmem:$0x100] =	vst v16;
	vm6 =	vlt.s32 v28, $0x7C000;
	v10 =	vsel vm14, v32, v34;
	v42 =	vadd.s32 $0xFFF0C001, v39  }
0x4f: {  	[tilespmem:$0x140] =	vst v2;
	v44 =	vld [tilespmem:$0x2F0];
	v13 =	vsel vm15, v35, v37;
	v4 =	vsel vm10, v57, v60;
	v8 =	vsel vm5, v39, v42  }
0x50: {  	v36 =	vld [tilespmem:$0x1F0];
	[tilespmem:$0xE0] =	vst v15;
	v42 =	vshll.u32 v28, $0x1;
	v38 =	vshll.u32 v24, $0x1;
	vm4 =	vlt.s32 v24, $0x7C000  }
0x51: {  	v59 =	vld [tilespmem:$0x260];
	[tilespmem:$0xF0] =	vst v43;
	v51 =	vshll.u32 v40, $0x1;
	vm8 =	vlt.s32 v40, $0x7C000;
	v24 =	vadd.s32 $0xFFF0C001, v21  }
0x52: {  	v62 =	vld [tilespmem:$0x270];
	[tilespmem:$0x130] =	vst v50;
	v34 =	vshll.u32 v23, $0x1;
	vm5 =	vlt.s32 v23, $0x7C000;
	v45 =	vadd.s32 $0xFFF0C001, v42  }
0x53: {  	v20 =	vld [tilespmem:$0x280];
	[tilespmem:$0x150] =	vst v3;
	v12 =	vshll.u32 v52, $0x1;
	vm13 =	vlt.s32 v52, $0x7C000;
	v41 =	vadd.s32 $0xFFF0C001, v38  }
0x54: {  	[tilespmem:$0x1E0] =	vst v0;
	v53 =	vadd.s32 $0xFFF0C001, v51;
	v9 =	vsel vm12, v21, v24;
	v37 =	vadd.s32 $0xFFF0C001, v34  }
0x55: {  	v43 =	vld [tilespmem:$0x210];
	[tilespmem:$0x230] =	vst v63;
	v55 =	vshll.u32 v44, $0x1;
	vm11 =	vlt.s32 v44, $0x7C000;
	v17 =	vadd.s32 $0xFFF0C001, v12  }
0x56: {  	v31 =	vld [tilespmem:$0x2B0];
	[tilespmem:$0x250] =	vst v26;
	v5 =	vsel vm4, v38, v41;
	v46 =	vshll.u32 v36, $0x1;
	vm7 =	vlt.s32 v36, $0x7C000  }
0x57: {  	v35 =	vld [tilespmem:$0x2C0];
	[tilespmem:$0x1A0] =	vst v10;
	v2 =	vsel vm8, v51, v53;
	v27 =	vshll.u32 v59, $0x1;
	vm14 =	vlt.s32 v59, $0x7C000  }
0x58: {  	v15 =	vld [tilespmem:$0x350];
	[tilespmem:$0x1B0] =	vst v13;
	v30 =	vshll.u32 v62, $0x1;
	vm15 =	vlt.s32 v62, $0x7C000;
	v33 =	vshll.u32 v20, $0x1  }
0x59: {  	[tilespmem:$0x220] =	vst v4;
	vm4 =	vlt.s32 v20, $0x7C000;
	v40 =	vsel vm5, v34, v37;
	v58 =	vadd.s32 $0xFFF0C001, v55  }
0x5a: {  	[tilespmem:$0x1D0] =	vst v8;
	v18 =	vsel vm13, v12, v17;
	v49 =	vadd.s32 $0xFFF0C001, v46;
	v54 =	vshll.u32 v43, $0x1  }
0x5b: {  	v28 =	vld [tilespmem:$0x380];
	[tilespmem:$0x240] =	vst v9;
	vm9 =	vlt.s32 v43, $0x7C000;
	v29 =	vadd.s32 $0xFFF0C001, v27;
	v32 =	vadd.s32 $0xFFF0C001, v30  }
0x5c: {  	v23 =	vld [tilespmem:$0x370];
	[tilespmem:$0x1C0] =	vst v5;
	v36 =	vadd.s32 $0xFFF0C001, v33;
	v43 =	vshll.u32 v31, $0x1;
	v48 =	vshll.u32 v35, $0x1  }
0x5d: {  	v52 =	vld [tilespmem:$0x3F0];
	[tilespmem:$0x200] =	vst v2;
	vm8 =	vlt.s32 v35, $0x7C000;
	v61 =	vsel vm11, v55, v58;
	vm5 =	vlt.s32 v15, $0x7C000  }
0x5e: {  	v38 =	vld [tilespmem:$0x2D0];
	[tilespmem:$0x290] =	vst v40;
	v50 =	vsel vm7, v46, v49;
	v56 =	vadd.s32 $0xFFF0C001, v54;
	v5 =	vsel vm14, v27, v29  }
0x5f: {  	v41 =	vld [tilespmem:$0x2E0];
	[tilespmem:$0x310] =	vst v18;
	v39 =	vsel vm15, v30, v32;
	v0 =	vsel vm4, v33, v36;
	vm7 =	vlt.s32 v31, $0x7C000  }
0x60: {  	v59 =	vld [tilespmem:$0x330];
	v46 =	vadd.s32 $0xFFF0C001, v43;
	v27 =	vshll.u32 v15, $0x1;
	[tilespmem:$0x2F0] =	vst v61;
	v3 =	vsel vm9, v54, v56  }
0x61: {  	v62 =	vld [tilespmem:$0x340];
	[tilespmem:$0x1F0] =	vst v50;
	v47 =	vsel vm7, v43, v46;
	v50 =	vadd.s32 $0xFFF0C001, v48;
	v30 =	vadd.s32 $0xFFF0C001, v27  }
0x62: {  	v20 =	vld [tilespmem:$0x360];
	[tilespmem:$0x260] =	vst v5;
	v36 =	vshll.u32 v23, $0x1;
	vm7 =	vlt.s32 v23, $0x7C000;
	v61 =	vshll.u32 v52, $0x1  }
0x63: {  	v34 =	vld [tilespmem:$0x3A0];
	[tilespmem:$0x210] =	vst v3;
	v3 =	vsel vm6, v42, v45;
	v6 =	vsel vm8, v48, v50;
	v33 =	vsel vm5, v27, v30  }
0x64: {  	v37 =	vld [tilespmem:$0x3B0];
	[tilespmem:$0x270] =	vst v39;
	v39 =	vadd.s32 $0xFFF0C001, v36;
	vm8 =	vlt.s32 v28, $0x7C000;
	v51 =	vshll.u32 v38, $0x1  }
0x65: {  	[tilespmem:$0x280] =	vst v0;
	vm9 =	vlt.s32 v38, $0x7C000;
	v54 =	vshll.u32 v41, $0x1;
	vm10 =	vlt.s32 v41, $0x7C000  }
0x66: {  	[tilespmem:$0x2B0] =	vst v47;
	v22 =	vshll.u32 v59, $0x1;
	vm15 =	vlt.s32 v59, $0x7C000;
	v26 =	vshll.u32 v62, $0x1  }
0x67: {  	[tilespmem:$0x2A0] =	vst v3;
	vm4 =	vlt.s32 v62, $0x7C000;
	v35 =	vshll.u32 v20, $0x1;
	vm6 =	vlt.s32 v20, $0x7C000  }
0x68: {  	v49 =	vld [tilespmem:$0x300];
	[tilespmem:$0x2C0] =	vst v6;
	v40 =	vsel vm7, v36, v39;
	v41 =	vshll.u32 v28, $0x1;
	v47 =	vshll.u32 v34, $0x1  }
0x69: {  	[tilespmem:$0x350] =	vst v33;
	v48 =	vshll.u32 v37, $0x1;
	vm11 =	vlt.s32 v37, $0x7C000;
	v53 =	vadd.s32 $0xFFF0C001, v51  }
0x6a: {  	v31 =	vld [tilespmem:$0x390];
	v62 =	vadd.s32 $0xFFF0C001, v61;
	v57 =	vadd.s32 $0xFFF0C001, v54;
	[tilespmem:$0x370] =	vst v40;
	v60 =	vsel vm9, v51, v53  }
0x6b: {  	v25 =	vadd.s32 $0xFFF0C001, v22;
	v29 =	vadd.s32 $0xFFF0C001, v26;
	v2 =	vsel vm10, v54, v57;
	[tilespmem:$0x2D0] =	vst v60  }
0x6c: {  	v56 =	vld [tilespmem:$0x320];
	v38 =	vadd.s32 $0xFFF0C001, v35;
	v43 =	vadd.s32 $0xFFF0C001, v41;
	v32 =	vsel vm15, v22, v25;
	[tilespmem:$0x2E0] =	vst v2  }
0x6d: {  	v50 =	vadd.s32 $0xFFF0C001, v47;
	v63 =	vshll.u32 v49, $0x1;
	v0 =	vsel vm6, v35, v38;
	[tilespmem:$0x330] =	vst v32  }
0x6e: {  	v42 =	vld [tilespmem:$0x3C0];
	vm12 =	vlt.s32 v49, $0x7C000;
	vm10 =	vlt.s32 v34, $0x7C000;
	v2 =	vsel vm4, v26, v29;
	[tilespmem:$0x360] =	vst v0  }
0x6f: {  	v45 =	vld [tilespmem:$0x3D0];
	v44 =	vshll.u32 v31, $0x1;
	v51 =	vadd.s32 $0xFFF0C001, v48;
	v0 =	vsel vm10, v47, v50;
	[tilespmem:$0x340] =	vst v2  }
0x70: {  	vm9 =	vlt.s32 v31, $0x7C000;
	v16 =	vadd.s32 $0xFFF0C001, v63;
	v53 =	vsel vm11, v48, v51;
	[tilespmem:$0x3A0] =	vst v0  }
0x71: {  	v49 =	vld [tilespmem:$0x3E0];
	vm15 =	vlt.s32 v52, $0x7C000;
	v19 =	vshll.u32 v56, $0x1;
	v1 =	vsel vm12, v63, v16;
	[tilespmem:$0x3B0] =	vst v53  }
0x72: {  	vm14 =	vlt.s32 v56, $0x7C000;
	v46 =	vadd.s32 $0xFFF0C001, v44;
	v2 =	vsel vm8, v41, v43;
	[tilespmem:$0x300] =	vst v1  }
0x73: {  	v21 =	vadd.s32 $0xFFF0C001, v19;
	v3 =	vsel vm9, v44, v46;
	v54 =	vshll.u32 v42, $0x1;
	[tilespmem:$0x380] =	vst v2  }
0x74: {  	vm12 =	vlt.s32 v42, $0x7C000;
	v55 =	vshll.u32 v45, $0x1;
	v63 =	vsel vm15, v61, v62;
	[tilespmem:$0x390] =	vst v3  }
0x75: {  	vm13 =	vlt.s32 v45, $0x7C000;
	v24 =	vsel vm14, v19, v21;
	v56 =	vadd.s32 $0xFFF0C001, v54;
	[tilespmem:$0x3F0] =	vst v63  }
0x76: {  	v57 =	vadd.s32 $0xFFF0C001, v55;
	[tilespmem:$0x320] =	vst v24;
	v0 =	vsel vm12, v54, v56;
	v59 =	vshll.u32 v49, $0x1  }
0x77: {  	v58 =	vsel vm13, v55, v57;
	[tilespmem:$0x3C0] =	vst v0;
	vm14 =	vlt.s32 v49, $0x7C000;
	v60 =	vadd.s32 $0xFFF0C001, v59  }
0x78: {  	[tilespmem:$0x3D0] =	vst v58;
	v0 =	vsel vm14, v59, v60  }
0x79: {  	[tilespmem:$0x3E0] =	vst v0  }
0x7a: {  	[tilespmem:s9], [sflag:$0x1] =	stream.indirect.gather [hbm4b:s3+s8], $0x40, s2, s8, $0xb8;
	[tilespmem:$0x10400] =	vst v63  }
0x7b: {  	_ = 	snop  }
0x7c: {  	[tilespmem:s10], [sflag:$0x1] =	stream.indirect.gather [hbm4b:s3+s8], $0x40, s8, s8, $0xb8;
	[tilespmem:$0x10400] =	vst v63  }
0x7d: {  	_ = 	snop  }
0x7e: {  	[tilespmem:s12], [sflag:$0x1] =	stream.indirect.gather [hbm4b:s3+s8], $0x40, s11, s8, $0xb8;
	[tilespmem:$0x10400] =	vst v63  }
0x7f: {  	_ = 	snop  }
0x80: {  	[tilespmem:s14], [sflag:$0x1] =	stream.indirect.gather [hbm4b:s3+s8], $0x40, s13, s8, $0xb8;
	[tilespmem:$0x10400] =	vst v63  }
0x81: {  	_ = 	snop  }
0x82: {  	[tilespmem:s16], [sflag:$0x1] =	stream.indirect.gather [hbm4b:s3+s8], $0x40, s15, s8, $0xb8;
	[tilespmem:$0x10400] =	vst v63  }
0x83: {  	_ = 	snop  }
0x84: {  	[tilespmem:s18], [sflag:$0x1] =	stream.indirect.gather [hbm4b:s3+s8], $0x40, s17, s8, $0xb8;
	[tilespmem:$0x10400] =	vst v63  }
0x85: {  	_ = 	snop  }
0x86: {  	[tilespmem:s20], [sflag:$0x1] =	stream.indirect.gather [hbm4b:s3+s8], $0x40, s19, s8, $0xb8;
	[tilespmem:$0x10400] =	vst v63  }
0x87: {  	_ = 	snop  }
0x88: {  	[tilespmem:s22], [sflag:$0x1] =	stream.indirect.gather [hbm4b:s3+s8], $0x40, s21, s8, $0xb8;
	[tilespmem:$0x10400] =	vst v63  }
0x89: {  	_ =	swait.ge [sflag:s23], $0x2000  }
0x8a: {  	[sflag:s23] =	ssyncset.done $0x0  }
0x8b: {  	[sflag:s23] =	ssyncadd.s32 $0xFFFFE000  }
0x8c: {  	_ =	swait.ge [sflag:s23], $0x2000  }
0x8d: {  	[sflag:s23] =	ssyncset.done $0x0  }
0x8e: {  	[sflag:s23] =	ssyncadd.s32 $0xFFFFE000  }
0x8f: {  	_ =	swait.ge [sflag:s23], $0x2000  }
0x90: {  	[sflag:s23] =	ssyncset.done $0x0  }
0x91: {  	[sflag:s23] =	ssyncadd.s32 $0xFFFFE000  }
0x92: {  	_ =	swait.ge [sflag:s23], $0x2000  }
0x93: {  	[sflag:s23] =	ssyncset.done $0x0  }
0x94: {  	[sflag:s23] =	ssyncadd.s32 $0xFFFFE000  }
0x95: {  	_ =	swait.ge [sflag:s23], $0x2000  }
0x96: {  	[sflag:s23] =	ssyncset.done $0x0  }
0x97: {  	[sflag:s23] =	ssyncadd.s32 $0xFFFFE000  }
0x98: {  	_ =	swait.ge [sflag:s23], $0x2000  }
0x99: {  	[sflag:s23] =	ssyncset.done $0x0  }
0x9a: {  	[sflag:s23] =	ssyncadd.s32 $0xFFFFE000  }
0x9b: {  	_ =	swait.ge [sflag:s23], $0x2000  }
0x9c: {  	[sflag:s23] =	ssyncset.done $0x0  }
0x9d: {  	[sflag:s23] =	ssyncadd.s32 $0xFFFFE000  }
0x9e: {  	_ =	swait.ge [sflag:s23], $0x2000  }
0x9f: {  	p0 =	sne.s32 s25, $0xC00;
	[sflag:s23] =	ssyncset.done $0x0  }
.Ltmp0:
0xa0: {  	[sflag:s23] =	ssyncadd.s32 $0xFFFFE000;
	(pc) =	sbr.rel @p0 .LBB2_2-.Ltmp0, $4  }
0xa1: {  	[hbm4b:s26+s2] =	stream.linear.scatter [tilespmem:s9], [sflag:$0x2], $0x10000, $0x38;
	[tilespmem:$0x10400] =	vst v63  }
0xa2: {  	_ =	swait.ge [sflag:s7], $0x10000  }
0xa3: {  	[sflag:s7] =	ssyncset.done $0x0  }
0xa4: {  	s25 =	sadd.s32 $0x80, s25;
	s26 =	sadd.s32 $0x2000, s26;
	[sflag:s7] =	ssyncadd.s32 $0xFFFF0000  }
0xa5: {  	s24 =	sadd.s32 $0x1, s24  }
0xa6: {  	p0 =	sne.s32 s24, s4  }
.Ltmp1:
0xa7: {  	_ = 	snop;
	(pc) =	sbr.rel @p0 .LBB2_1-.Ltmp1, $1  }
0xa8: {  	_ =	sdelay $0x3  }
0xa9: {  	_ =	sfence.sel $0x180000  }
0xaa: {  	[bflag:$0x0] =	sbarrier.arrive $0xFFFF  }
0xab: {  	p0 =	sne.s32 s0, $0x0;
	_ =	strace $0x90000047  }
0xac: {  	s0 =	sadd.s32 @!p0 $0x100000, s1;
	[bflag:$0x2] =	sbarrier.arrive $0xFFFF  }
0xad: {  	[sflag:s0] =	ssyncadd.tile.s32 @!p0 $0x1;
	_ =	shalt  }
.Lfunc_end2:
_tile_overlayer_lowered:
.L_overlay_start_2:
0xae: {  	(tag) =	ssettag $0x2  }
0xaf: {  	s0 =	rddreg [dreg:$0x0];
	s2 =	stileid.u32  }
0xb0: {  	s1 =	rddreg [dreg:$0x1];
	p0 =	sne.s32 s2, $0x0  }
0xb1: {  	s3 =	rddreg [dreg:$0x2];
	[bflag:$0x3] =	sbarrier.arrive $0xFFFF;
	s2 =	simm.s32 @!p0 $0x1C02  }
0xb2: {  	[timem:s3], [sflag:s2] =	dma.local @!p0 [hbm:s0], s1  }
0xb3: {  	s0 =	simm.s32 @!p0 $0x2  }
0xb4: {  	_ =	swait.ge @!p0 [sflag:s0], s1  }
0xb5: {  	s1 =	ssub.s32 @!p0 $0x0, s1;
	[sflag:s0] =	ssyncset.done @!p0 $0x0  }
0xb6: {  	[sflag:s0] =	ssyncadd.s32 @!p0 s1  }
0xb7: {  	[bflag:$0x3] =	sbarrier.arrive $0xFFFF  }
0xb8: {  	_ =	shalt  }

// kernel: sparse-core-data-format-call.cloned.1.call-start
scs
called_computation_lowered:
.L_overlay_start_0:
0x0: {  	s2 =	sld [smem:$0x3FD9]  }
0x1: {  	s3 =	sld [smem:$0x3FFE];
	_ =	sdelay $0x1  }
0x2: {  	s1 =	srdreg.scid  }
0x3: {  	s0 =	sand.u32 $0x1, s1  }
0x4: {  	s18 =	sshll.u32 s0, $0xA;
	s2 =	sadd.s32 s3, s2  }
0x5: {  	s2 =	sadd.s32 s2, s18  }
0x6: {  	[smem:$0x3FC6] =	sst s2  }
0x7: {  	_ = 	snop  }
0x8: {  	s2 =	sld [smem:$0x3FD0];
	(tm) =	ssettm $0x1  }
0x9: {  	s19 =	sld [smem:$0x3FFB];
	_ =	sdelay $0x3  }
0xa: {  	_ =	strace s19  }
0xb: {  	s3 =	sld [smem:$0x3FFC];
	_ =	sdelay $0x3  }
0xc: {  	_ =	strace s3  }
0xd: {  	s3 =	sld [smem:$0x3FFD];
	_ =	sdelay $0x3  }
0xe: {  	_ =	strace s3  }
0xf: {  	_ =	strace $0x8FFFFFFF  }
0x10: {  	s20 =	sld [smem:$0x3FDB];
	_ =	sdelay $0x1  }
0x11: {  	s4 =	simm.s32 $_scs_section_size  }
0x12: {  	s5 =	simm.s32 $_size__tile_overlayer_lowered;
	s6 =	simm.s32 $_tile_overlayer_lowered  }
0x13: {  	s23 =	simm.s32 $0x1BFF;
	s22 =	sshll.u32 s6, $0x1;
	s3 =	sadd.s32 s4, s20  }
0x14: {  	s7 =	simm.s32 $0x0;
	s21 =	sshll.u32 s5, $0x1;
	s5 =	sadd.s32 s22, s3  }
0x15: {  	[timem:s7], [sflag:s23] =	dma.local [hbm:s5], s21  }
0x16: {  	_ =	swait.ge [sflag:s23], s21  }
0x17: {  	s4 =	ssub.s32 $0x0, s21;
	[sflag:s23] =	ssyncset.done $0x0  }
0x18: {  	[sflag:s23] =	ssyncadd.s32 s4;
	_ =	sdelay $0x1  }
0x19: {  	s24 =	simm.s32 $0x1B8B  }
0x1a: {  	_ =	swait.ge [sflag:s24], $0x1  }
0x1b: {  	[sflag:s24] =	ssyncset.done $0x0  }
0x1c: {  	s26 =	simm.s32 $0x1B8E;
	s25 =	sld [smem:$0x3FFE];
	[sflag:s24] =	ssyncadd.s32 $0xFFFFFFFF  }
0x1d: {  	s27 =	simm.s32 $execute0_lowered;
	[smem:$0x3FD2] =	sst s26  }
0x1e: {  	s5 =	sshll.u32 s27, $0x1;
	_ =	strace $0x80000049;
	[dreg:$0x1] =	wrdreg $0xFFFFFFFF  }
0x1f: {  	s28 =	simm.s32 $_size_execute0_lowered;
	s3 =	sadd.s32 s3, s5;
	[dreg:$0x0] =	wrdreg $0x0  }
0x20: {  	s5 =	sshll.u32 s28, $0x1;
	[dreg:$0x2] =	wrdreg s3  }
0x21: {  	[dreg:$0x3] =	wrdreg s5  }
0x22: {  	[dreg:$0x4] =	wrdreg $0xC0  }
0x23: {  	_ =	task [dreg:s7], $0x5FFFF  }
0x24: {  	[dreg:$0x1] =	wrdreg $0xFFFFFFFF  }
0x25: {  	[dreg:$0x0] =	wrdreg $0x60  }
0x26: {  	[dreg:$0x2] =	wrdreg s25  }
0x27: {  	[dreg:$0x3] =	wrdreg s2  }
0x28: {  	[dreg:$0x4] =	wrdreg $0x9  }
0x29: {  	_ =	task.clear_ibuf [dreg:s7], $0x5FFFF;
	_ =	strace $0x90000049  }
0x2a: {  	s29 =	simm.s32 $0x9;
	_ =	strace $0x8000004B  }
0x2b: {  	_ =	swait.ge [sflag:s29], $0x1  }
0x2c: {  	[sflag:s29] =	ssyncadd.s32 $0xFFFFFFFF  }
0x2d: {  	_ =	strace $0x9000004B  }
0x2e: {  	_ =	sfence  }
0x2f: {  	s30 =	sld [smem:$0x0];
	_ =	sdelay $0x2  }
0x30: {  	s31 =	sshll.u32 s1, $0xD;
	s1 =	sshrl.u32 s1, $0x2  }
0x31: {  	s3 =	sand.u32 $0x4000, s31;
	s1 =	sadd.s32 s1, s30  }
0x32: {  	s0 =	sor.u32 s3, s0;
	s1 =	sshll.u32 s1, $0x11  }
0x33: {  	s0 =	sor.u32 s1, s0  }
0x34: {  	s0 =	sadd.s32 $0x8F2B, s0  }
0x35: {  	[sflag:s0] =	ssyncadd.remote.s32 $0x1  }
0x36: {  	_ =	sfence.sel $0xFFFF  }
0x37: {  	[dreg:$0x0] =	wrdreg $0xFFFFFFFF;
	(pc) =	sbr.abs _section_cstart, $3  }
0x38: {  	[dreg:$0x1] =	wrdreg $0xFFFFFFFF  }
0x39: {  	_ =	task.clear_ibuf [dreg:s7], $0x2FFFF;
	_ =	strace $0x9FFFFFFF  }
0x3a: {  	(tm) =	ssettm $0x7FFFFFFF  }
0x3b: {  	_ =	shalt  }
tec
execute0_lowered:
.L_overlay_start_1:
0x0: {  	(tag) =	ssettag $0x1  }
0x1: {  	s0 =	srdreg.scid  }
0x2: {  	s1 =	sshll.u32 s0, $0x4  }
0x3: {  	s4 =	rddreg [dreg:$0x0];
	s0 =	stileid.u32;
	s1 =	sand.u32 $0x10, s1  }
0x4: {  	s2 =	rddreg [dreg:$0x1];
	s7 =	simm.s32 $0x1;
	s1 =	sor.u32 s0, s1  }
0x5: {  	s8 =	simm.s32 $0x2;
	s11 =	simm.s32 $0x0;
	s3 =	sshll.u32 s1, $0x7  }
0x6: {  	s10 =	simm.s32 $0x0;
	s4 =	sadd.s32 $0x800, s4;
	s6 =	ssub.s32 $0xC8000, s3  }
.Ltmp0:
0x7: {  	s1 =	rddreg [dreg:$0x2];
	s5 =	sand.u32 $0xF80, s6;
	(pc) =	sbr.rel .LBB1_1-.Ltmp0, $4  }
0x8: {  	_ =	strace $0x8000004A;
	s9 =	smov.u32 s3;
	p0 =	sne.s32 s5, $0x0  }
0x9: {  	s6 =	sshrl.u32 s6, $0xC;
	s5 =	simm.s32 $0x1;
	s7 =	simm.s32 @!p0 $0x0  }
0xa: {  	[sflag:s5] =	ssyncpa.u1 $0x0;
	p0 =	por $0x0, $0x0;
	s6 =	sadd.s32 s7, s6  }
0xb: {  	[sflag:s8] =	ssyncpa.u1 $0x0;
	s8 =	simm.s32 $0x640000;
	s7 =	sadd.s32 $0x1, s6  }
.LBB1_4:
0xc: {  	s14 =	sshll.u32 s11, $0x3  }
0xd: {  	s30 =	sand.u32 $0x7F, s11;
	s15 =	sand.u32 $0xFFFFFC00, s14  }
0xe: {  	s11 =	sor.u32 s30, s15  }
0xf: {  	s15 =	smulhi.u32 $0x51EB851F, s11  }
0x10: {  	s14 =	smulhi.u32 $0x51EB851F, s14  }
0x11: {  	s15 =	sshrl.u32 s15, $0x12  }
0x12: {  	s14 =	sshrl.u32 s14, $0x12;
	s15 =	smul.u32 $0xC8000, s15  }
0x13: {  	s14 =	sand.u32 $0x3F, s14  }
0x14: {  	s14 =	smul.u32 $0x19000, s14;
	s11 =	ssub.s32 s11, s15  }
0x15: {  	[tilespmem:s13+$0x810 ss:$0x81] =	vst.msk $0xffff, v2;
	s15 =	sand.u32 $0x7, s11  }
0x16: {  	[tilespmem:s13+$0x1020 ss:$0x81] =	vst.msk $0xffff, v0;
	s14 =	sadd.s32 s2, s14;
	s11 =	sshrl.u32 s11, $0x3;
	s15 =	sshll.u32 s15, $0x12  }
0x17: {  	[tilespmem:s13+$0x0 ss:$0x81] =	vst.msk $0xffff, v1;
	s11 =	sadd.s32 s11, s14;
	s31 =	sor.u32 $0x400, s15  }
0x18: {  	[hbm4b:s11+s31] =	stream.strided.scatter [tilespmem:s12], [sflag:$0x2], $0x2000, s8, s31, $0x20;
	[tilespmem:$0x8080] =	vst v63  }
.LBB1_5:
0x19: {  	s13 =	sadd.s32 $0x1000, s9  }
0x1a: {  	p2 =	sgt.s32 s13, $0xC7FFF  }
0x1b: {  	s13 =	smov.u32 @p2 s3;
	p2 =	sne.s32 s10, s7  }
.Ltmp1:
0x1c: {  	p1 =	slt.u32 s10, $0x2;
	(pc) =	sbr.rel @!p2 .LBB1_6-.Ltmp1, $4  }
0x1d: {  	s12 =	simm.s32 @!p1 $0x2  }
0x1e: {  	s14 =	sadd.s32 $0x1, s10;
	_ =	swait.ge @!p1 [sflag:s12], $0x2000  }
0x1f: {  	s11 =	smov.u32 s9;
	p0 =	por !p0, !p0;
	[sflag:s12] =	ssyncset.done @!p1 $0x0  }
0x20: {  	s10 =	smov.u32 s14;
	s9 =	smov.u32 s13;
	[sflag:s12] =	ssyncadd.s32 @!p1 $0xFFFFE000  }
.LBB1_1:
0x21: {  	p1 =	sge.u32 s10, s6  }
0x22: {  	s12 =	sand.u32 @!p1 $0x1FFFFFF, s9  }
0x23: {  	s13 =	smulhi.u32 @!p1 $0x147AE15, s12;
	_ =	sdelay $0x1  }
0x24: {  	s13 =	sshrl.u32 @!p1 s13, $0xC  }
0x25: {  	s13 =	smul.u32 @!p1 $0xC8000, s13;
	_ =	sdelay $0x1  }
0x26: {  	s31 =	sadd.s32 $0xFFFFFFFF, s10;
	s14 =	sxor.u32 @!p1 $0xFFFFFFFF, s10;
	s12 =	ssub.s32 @!p1 s12, s13  }
0x27: {  	s15 =	simm.s32 @!p1 $0x80;
	s14 =	sshll.u32 @!p1 s14, $0xD;
	s12 =	sshll.u32 @!p1 s12, $0x4  }
0x28: {  	s13 =	sand.u32 @!p1 $0x2000, s14;
	s14 =	simm.s32 @!p1 $0x40;
	s12 =	sadd.s32 @!p1 s4, s12  }
0x29: {  	[tilespmem:s13], [sflag:$0x1] =	stream.strided.gather @!p1 [hbm4b:s12+s14], $0x2000, s15, s14, $0x38;
	[tilespmem:$0x8080] =	vst v63  }
0x2a: {  	p1 =	sge.u32 s31, s6  }
.Ltmp2:
0x2b: {  	_ = 	snop;
	(pc) =	sbr.rel @p1 .LBB1_5-.Ltmp2, $1  }
0x2c: {  	_ =	sdelay $0x3  }
0x2d: {  	s12 =	simm.s32 $0x1  }
0x2e: {  	_ =	swait.ge [sflag:s5], $0x2000;
	s12 =	simm.s32 @!p0 $0x0  }
0x2f: {  	[sflag:s5] =	ssyncset.done $0x0;
	s13 =	sshll.u32 s12, $0xD  }
0x30: {  	[sflag:s5] =	ssyncadd.s32 $0xFFFFE000;
	s16 =	sor.u32 $0x20, s13  }
0x31: {  	s12 =	smul.u32 $0x8100, s12;
	v3 =	vld [tilespmem:s16+$0x10]  }
0x32: {  	s30 =	sand.u32 $0x1, s10;
	v2 =	vld [tilespmem:s16+$0xFFFFFFF0]  }
0x33: {  	s13 =	smul.u32 $0x8100, s30;
	s12 =	sshrl.u32 s12, $0x2;
	v0 =	vld [tilespmem:s16+$0x0]  }
0x34: {  	v1 =	vld [tilespmem:s16+$0xFFFFFFE0];
	s14 =	sor.u32 $0x4000, s12  }
0x35: {  	s31 =	sshrl.u32 s13, $0x2;
	s13 =	sadd.s32 $0x0, s14  }
0x36: {  	s15 =	simm.s32 $0x4;
	s16 =	sadd.s32 $0x40, s16;
	s12 =	sor.u32 $0x4000, s31;
	[tilespmem:s13+$0x1830 ss:$0x81] =	vst.msk $0xffff, v3  }
.LBB1_3:
0x37: {  	v3 =	vld [tilespmem:s16+$0x10];
	p1 =	sne.s32 s15, $0x1FC;
	[tilespmem:s13+$0x810 ss:$0x81] =	vst.msk $0xffff, v2;
	s17 =	smov.u32 s15;
	s15 =	sadd.s32 $0x4, s15  }
.Ltmp3:
0x38: {  	v2 =	vld [tilespmem:s16+$0xFFFFFFF0];
	[tilespmem:s13+$0x1020 ss:$0x81] =	vst.msk $0xffff, v0;
	(pc) =	sbr.rel @p1 .LBB1_3-.Ltmp3, $4  }
0x39: {  	v0 =	vld [tilespmem:s16+$0x0];
	[tilespmem:s13+$0x0 ss:$0x81] =	vst.msk $0xffff, v1  }
0x3a: {  	s13 =	sshra.s32 s17, $0x2;
	v1 =	vld [tilespmem:s16+$0xFFFFFFE0]  }
0x3b: {  	s13 =	sadd.s32 s13, s14  }
0x3c: {  	s16 =	sadd.s32 $0x40, s16;
	[tilespmem:s13+$0x1830 ss:$0x81] =	vst.msk $0xffff, v3  }
.Ltmp4:
0x3d: {  	_ = 	snop;
	(pc) =	sbr.rel .LBB1_4-.Ltmp4, $1  }
0x3e: {  	_ =	sdelay $0x3  }
.LBB1_6:
0x3f: {  	_ =	sfence.sel $0x180000  }
0x40: {  	s2 =	simm.s32 $0x1;
	[bflag:$0x0] =	sbarrier.arrive $0xFFFF  }
0x41: {  	s31 =	simm.s32 $0x2;
	[sflag:s2] =	ssyncpa.u1 $0x1  }
0x42: {  	[sflag:s31] =	ssyncpa.u1 $0x1  }
0x43: {  	p0 =	sne.s32 s0, $0x0;
	_ =	strace $0x9000004A  }
0x44: {  	s0 =	sadd.s32 @!p0 $0x100000, s1;
	[bflag:$0x2] =	sbarrier.arrive $0xFFFF  }
0x45: {  	[sflag:s0] =	ssyncadd.tile.s32 @!p0 $0x1;
	_ =	shalt  }
.Lfunc_end1:
_tile_overlayer_lowered:
.L_overlay_start_2:
0x46: {  	(tag) =	ssettag $0x2  }
0x47: {  	s0 =	rddreg [dreg:$0x0];
	s2 =	stileid.u32  }
0x48: {  	s1 =	rddreg [dreg:$0x1];
	p0 =	sne.s32 s2, $0x0  }
0x49: {  	s3 =	rddreg [dreg:$0x2];
	[bflag:$0x3] =	sbarrier.arrive $0xFFFF;
	s2 =	simm.s32 @!p0 $0x1C01  }
0x4a: {  	[timem:s3], [sflag:s2] =	dma.local @!p0 [hbm:s0], s1  }
0x4b: {  	s0 =	simm.s32 @!p0 $0x1  }
0x4c: {  	_ =	swait.ge @!p0 [sflag:s0], s1  }
0x4d: {  	s1 =	ssub.s32 @!p0 $0x0, s1;
	[sflag:s0] =	ssyncset.done @!p0 $0x0  }
0x4e: {  	[sflag:s0] =	ssyncadd.s32 @!p0 s1  }
0x4f: {  	[bflag:$0x3] =	sbarrier.arrive $0xFFFF  }
0x50: {  	_ =	shalt  }

</sc_bundles>
